<compile_context>
chip_gen: v7x
topology: tpu7x:2x2x1
jax: 0.10.2.dev20260603
libtpu: 0.0.44.dev20260713+nightly
codegen_flags: <defaults>
</compile_context>

<pallas_src>
import jax
import jax.numpy as jnp
from jax import lax
from jax.experimental import pallas as pl
from jax.experimental.pallas import tpu as pltpu
from jax.experimental.pallas import tpu_sc as plsc

_B, _S, _N, _F = 16, 128, 2048, 8
_D = 64
_POSITIONS = 289
_EXTENT = 8.0
_STRIDE_Y = 17.0
_NW = 32
_PAIRS_PER_W = (_B * _S) // _NW
_L = 16
_NBUF = 2
_DP = 128


def _sc_body(feat_hbm, imap_hbm, tok_hbm, et_hbm, keys_w, values_w,
             keys_out, vals_out,
             feat_v, imap_v, et_v, pp_v, xrow, yrow, offrow, krow, vrow,
             kbuf, vbuf, keys_s, vals_s,
             gksem, gvsem, wksem, wvsem):
    wid = lax.axis_index("s") * 2 + lax.axis_index("c")
    b = wid // 2
    r0 = wid * _PAIRS_PER_W
    i_base = (wid % 2) * _PAIRS_PER_W

    @pl.when(lax.axis_index("s") == 0)
    def _():
        pltpu.sync_copy(keys_w, keys_s)
        pltpu.sync_copy(values_w, vals_s)

    pltpu.sync_copy(feat_hbm, feat_v)
    pltpu.sync_copy(imap_hbm, imap_v)
    pltpu.sync_copy(et_hbm, et_v)
    pltpu.sync_copy(tok_hbm.at[b], pp_v)

    for c in range(_S // _L):
        tok = plsc.load_gather(imap_v, [pp_v[pl.ds(c * _L, _L)]])
        fbase = tok * _F
        xj = plsc.load_gather(feat_v, [fbase])
        yj = plsc.load_gather(feat_v, [fbase + 1])
        et = plsc.load_gather(et_v, [tok])
        xrow[pl.ds(c * _L, _L)] = xj
        yrow[pl.ds(c * _L, _L)] = yj
        offrow[pl.ds(c * _L, _L)] = et * _POSITIONS

    plsc.subcore_barrier()

    def compute_idx(i, p):
        ib = jnp.full((_L,), i_base + i, jnp.int32)
        xi = plsc.load_gather(xrow, [ib])
        yi = plsc.load_gather(yrow, [ib])
        for c in range(_S // _L):
            sl = pl.ds(c * _L, _L)
            dx = jnp.minimum(jnp.maximum(xrow[sl] - xi, -_EXTENT), _EXTENT)
            dy = jnp.minimum(jnp.maximum(yrow[sl] - yi, -_EXTENT), _EXTENT)
            kf = (dx + _EXTENT) + _STRIDE_Y * (dy + _EXTENT)
            kt = kf.astype(jnp.int32)
            frac = kf - kt.astype(jnp.float32)
            bump = (frac > 0.5) | ((frac == 0.5) & ((kt & 1) == 1))
            ki = kt + bump.astype(jnp.int32)
            krow[p, sl] = ki
            vrow[p, sl] = ki + offrow[sl]

    def fire_gather(p):
        pltpu.async_copy(keys_s.at[krow.at[p]], kbuf.at[p], gksem.at[p])
        pltpu.async_copy(vals_s.at[vrow.at[p]], vbuf.at[p], gvsem.at[p])

    def drain_gather(p):
        pltpu.make_async_copy(keys_s.at[krow.at[p]], kbuf.at[p],
                              gksem.at[p]).wait()
        pltpu.make_async_copy(vals_s.at[vrow.at[p]], vbuf.at[p],
                              gvsem.at[p]).wait()

    def fire_write(i, p):
        g0 = (r0 + i) * _S
        pltpu.async_copy(kbuf.at[p], keys_out.at[pl.ds(g0, _S)], wksem.at[p])
        pltpu.async_copy(vbuf.at[p], vals_out.at[pl.ds(g0, _S)], wvsem.at[p])

    def drain_write(i, p):
        g0 = (r0 + i) * _S
        pltpu.make_async_copy(kbuf.at[p], keys_out.at[pl.ds(g0, _S)],
                              wksem.at[p]).wait()
        pltpu.make_async_copy(vbuf.at[p], vals_out.at[pl.ds(g0, _S)],
                              wvsem.at[p]).wait()

    n_grp = _PAIRS_PER_W // _NBUF

    def body(g, carry):
        for p in range(_NBUF):
            i = g * _NBUF + p

            @pl.when(g > 0)
            def _():
                drain_write((g - 1) * _NBUF + p, p)

            compute_idx(i, p)
            fire_gather(p)
        for p in range(_NBUF):
            drain_gather(p)
            fire_write(g * _NBUF + p, p)
        return carry

    lax.fori_loop(0, n_grp, body, 0)
    for p in range(_NBUF):
        drain_write((n_grp - 1) * _NBUF + p, p)


@jax.jit
def _sc_call(feat, imap, tok, et, keys_w, values_w):
    mesh = plsc.VectorSubcoreMesh(core_axis_name="c", subcore_axis_name="s")
    f = pl.kernel(
        _sc_body,
        out_type=(
            jax.ShapeDtypeStruct((_B * _S * _S, _DP), jnp.float32),
            jax.ShapeDtypeStruct((_B * _S * _S, _DP), jnp.float32),
        ),
        mesh=mesh,
        compiler_params=pltpu.CompilerParams(
            needs_layout_passes=False, use_tc_tiling_on_sc=False),
        scratch_types=[
            pltpu.VMEM((_N * _F,), jnp.float32),
            pltpu.VMEM((_N,), jnp.int32),
            pltpu.VMEM((_N,), jnp.int32),
            pltpu.VMEM((_S,), jnp.int32),
            pltpu.VMEM((_S,), jnp.float32),
            pltpu.VMEM((_S,), jnp.float32),
            pltpu.VMEM((_S,), jnp.int32),
            pltpu.VMEM((_NBUF, _S), jnp.int32),
            pltpu.VMEM((_NBUF, _S), jnp.int32),
            pltpu.VMEM((_NBUF, _S, _DP), jnp.float32),
            pltpu.VMEM((_NBUF, _S, _DP), jnp.float32),
            pltpu.VMEM_SHARED((_POSITIONS, _DP), jnp.float32),
            pltpu.VMEM_SHARED((_POSITIONS * 4, _DP), jnp.float32),
            pltpu.SemaphoreType.DMA((_NBUF,)),
            pltpu.SemaphoreType.DMA((_NBUF,)),
            pltpu.SemaphoreType.DMA((_NBUF,)),
            pltpu.SemaphoreType.DMA((_NBUF,)),
        ],
    )
    return f(feat, imap, tok, et, keys_w, values_w)


def kernel(features, index_map, packpad_index, entity_type, keys_w, values_w):
    keys_p = jnp.pad(keys_w, ((0, 0), (0, _DP - _D)))
    values_p = jnp.pad(values_w, ((0, 0), (0, _DP - _D)))
    kf, vf = _sc_call(features.reshape(_N * _F), index_map.astype(jnp.int32),
                      packpad_index.astype(jnp.int32),
                      entity_type.astype(jnp.int32).reshape(_N),
                      keys_p, values_p)
    return (kf[:, :_D].reshape(_B, _S, _S, _D),
            vf[:, :_D].reshape(_B, _S, _S, _D))

# --- scband reference (transcript-rebuilt; emitter-appended) ---
"""Pipeline reference for scband-relpos-encoding-52578989637720 (READ-ONLY COPY).

The authoritative reference and input builder live on the scoring server;
editing this copy changes nothing except your own understanding.
"""

import jax, jax.numpy as jnp
import numpy as np

EXTENT = jnp.array([8.0, 8.0], dtype=jnp.float32)
STRIDES = jnp.array([1.0, 17.0], dtype=jnp.float32)
POSITIONS = 289
N_ENTITY = 4
DHEAD = 64
B, S, N, F = 16, 128, 2048, 8


def setup_inputs(seed: int = 0) -> dict:
    key = jax.random.key(seed)
    k1, k2, k3, k4, k5 = jax.random.split(key, 5)
    # position features uniform in [-16, 16] so clamping to extent [-8, 8] is exercised
    features = jax.random.uniform(k1, (N, F), dtype=jnp.float32) * 32.0 - 16.0
    index_map = jnp.arange(N, dtype=jnp.int32)
    packpad_index = jax.random.randint(k2, (B, S), 0, N, dtype=jnp.int32)
    entity_type = jax.random.randint(k3, (N, 1), 0, N_ENTITY, dtype=jnp.int32)
    keys_w = jax.random.normal(k4, (POSITIONS, DHEAD), dtype=jnp.float32) * 0.05
    values_w = jax.random.normal(k5, (POSITIONS * N_ENTITY, DHEAD), dtype=jnp.float32) * 0.2
    return {
        'features': features,
        'index_map': index_map,
        'packpad_index': packpad_index,
        'entity_type': entity_type,
        'keys_w': keys_w,
        'values_w': values_w,
    }


def reference(features, index_map, packpad_index, entity_type, keys_w, values_w):
    # gather position features (single entity-group, position_feature_indices = [0, 1])
    tpos = features[:, :2]
    tpos = tpos[index_map]            # [N, 2]
    tpos = tpos[packpad_index]        # [B, S, 2]
    et = entity_type[packpad_index]   # [B, S, 1]
    # pairwise relative positions: rel[b, i, j] = tpos[b, j] - tpos[b, i]
    rel = (tpos[:, None, :, :] - tpos[:, :, None, :]) * (1.0 / 1.0)  # scale = 1.0
    clamped = jnp.clip(rel, -EXTENT, EXTENT)
    positive = clamped + EXTENT
    indices = jnp.round(jnp.sum(positive * STRIDES, axis=-1)).astype(jnp.int32)  # [B, S, S]
    keys = jnp.take(keys_w, indices, axis=0)  # [B, S, S, DHEAD]
    # per-entity value indices: offset by entity type of token j (last axis)
    offset = (et[..., 0].astype(jnp.int32) * POSITIONS)[:, None, :]  # [B, 1, S]
    per_entity_indices = indices + offset  # [B, S, S]
    values = jnp.take(values_w, per_entity_indices, axis=0)  # [B, S, S, DHEAD]
    return keys, values

if __name__ == "__main__":
    import jax
    _d = setup_inputs()
    print(jax.jit(kernel)(*tuple(_d.values())))

</pallas_src>

<mosaic_0001>
#map = affine_map<(d0, d1) -> (0)>
#map1 = affine_map<(d0, d1) -> (0, 0)>
module attributes {stable_mosaic.version = 14 : i64} {
  func.func @_sc_body(%arg0: i32, %arg1: i32, %arg2: memref<16384xf32, #tpu.memory_space<hbm>>, %arg3: memref<2048xi32, #tpu.memory_space<hbm>>, %arg4: memref<16x128xi32, #tpu.memory_space<hbm>>, %arg5: memref<2048xi32, #tpu.memory_space<hbm>>, %arg6: memref<289x128xf32, #tpu.memory_space<hbm>>, %arg7: memref<1156x128xf32, #tpu.memory_space<hbm>>, %arg8: memref<262144x128xf32, #tpu.memory_space<hbm>>, %arg9: memref<262144x128xf32, #tpu.memory_space<hbm>>, %arg10: memref<16384xf32, #tpu.memory_space<vmem>>, %arg11: memref<2048xi32, #tpu.memory_space<vmem>>, %arg12: memref<2048xi32, #tpu.memory_space<vmem>>, %arg13: memref<128xi32, #tpu.memory_space<vmem>>, %arg14: memref<128xf32, #tpu.memory_space<vmem>>, %arg15: memref<128xf32, #tpu.memory_space<vmem>>, %arg16: memref<128xi32, #tpu.memory_space<vmem>>, %arg17: memref<2x128xi32, #tpu.memory_space<vmem>>, %arg18: memref<2x128xi32, #tpu.memory_space<vmem>>, %arg19: memref<2x128x128xf32, #tpu.memory_space<vmem>>, %arg20: memref<2x128x128xf32, #tpu.memory_space<vmem>>, %arg21: memref<289x128xf32, #tpu.memory_space<vmem_shared>>, %arg22: memref<1156x128xf32, #tpu.memory_space<vmem_shared>>, %arg23: memref<2x!tpu.dma_semaphore, #tpu.memory_space<semaphore_mem>>, %arg24: memref<2x!tpu.dma_semaphore, #tpu.memory_space<semaphore_mem>>, %arg25: memref<2x!tpu.dma_semaphore, #tpu.memory_space<semaphore_mem>>, %arg26: memref<2x!tpu.dma_semaphore, #tpu.memory_space<semaphore_mem>>) attributes {dimension_semantics = [#tpu.dimension_semantics<core_parallel>, #tpu.dimension_semantics<subcore_parallel>], iteration_bounds = array<i64: 2, 16>, scalar_prefetch = 0 : i64, scratch_operands = 17 : i64, tpu.core_type = #tpu.core_type<sc_vector_subcore>, window_params = [{transform_indices = #map}, {transform_indices = #map}, {transform_indices = #map1}, {transform_indices = #map}, {transform_indices = #map1}, {transform_indices = #map1}, {transform_indices = #map1}, {transform_indices = #map1}]} {
    %mul3A = arith.constant 2 : i32
    %mul3A_0 = arith.muli %arg1, %mul3A : i32
    %add3A = arith.addi %mul3A_0, %arg0 : i32
    %jit3A = arith.constant 2 : i32
    %div3A = arith.divsi %add3A, %jit3A : i32
    %sign3A = arith.constant 0 : i32
    %sign3A_1 = arith.cmpi sgt, %add3A, %sign3A : i32
    %sign3A_2 = arith.extui %sign3A_1 : i1 to i32
    %sign3A_3 = arith.constant 0 : i32
    %sign3A_4 = arith.cmpi slt, %add3A, %sign3A_3 : i32
    %sign3A_5 = arith.extui %sign3A_4 : i1 to i32
    %sign3A_6 = arith.subi %sign3A_2, %sign3A_5 : i32
    %sign3A_7 = arith.constant 0 : i32
    %sign3A_8 = arith.cmpi sgt, %jit3A, %sign3A_7 : i32
    %sign3A_9 = arith.extui %sign3A_8 : i1 to i32
    %sign3A_10 = arith.constant 0 : i32
    %sign3A_11 = arith.cmpi slt, %jit3A, %sign3A_10 : i32
    %sign3A_12 = arith.extui %sign3A_11 : i1 to i32
    %sign3A_13 = arith.subi %sign3A_9, %sign3A_12 : i32
    %ne3A = arith.cmpi ne, %sign3A_6, %sign3A_13 : i32
    %rem3A = arith.remsi %add3A, %jit3A : i32
    %ne3A_14 = arith.constant 0 : i32
    %ne3A_15 = arith.cmpi ne, %rem3A, %ne3A_14 : i32
    %and3A = arith.andi %ne3A, %ne3A_15 : i1
    %sub3A = arith.constant 1 : i32
    %sub3A_16 = arith.subi %div3A, %sub3A : i32
    %select_n3A = arith.select %and3A, %sub3A_16, %div3A : i32
    %mul3A_17 = arith.constant 64 : i32
    %mul3A_18 = arith.muli %add3A, %mul3A_17 : i32
    %jit3A_19 = arith.constant 2 : i32
    %eq3A = arith.constant 0 : i32
    %eq3A_20 = arith.cmpi eq, %jit3A_19, %eq3A : i32
    %jit3A_21 = arith.constant 1 : i32
    %select_n3A_22 = arith.select %eq3A_20, %jit3A_21, %jit3A_19 : i32
    %rem3A_23 = arith.remsi %add3A, %select_n3A_22 : i32
    %ne3A_24 = arith.constant 0 : i32
    %ne3A_25 = arith.cmpi ne, %rem3A_23, %ne3A_24 : i32
    %lt3A = arith.constant 0 : i32
    %lt3A_26 = arith.cmpi slt, %rem3A_23, %lt3A : i32
    %lt3A_27 = arith.constant 0 : i32
    %lt3A_28 = arith.cmpi slt, %select_n3A_22, %lt3A_27 : i32
    %ne3A_29 = arith.xori %lt3A_26, %lt3A_28 : i1
    %and3A_30 = arith.andi %ne3A_29, %ne3A_25 : i1
    %add3A_31 = arith.addi %rem3A_23, %select_n3A_22 : i32
    %select_n3A_32 = arith.select %and3A_30, %add3A_31, %rem3A_23 : i32
    %mul3A_33 = arith.constant 64 : i32
    %mul3A_34 = arith.muli %select_n3A_32, %mul3A_33 : i32
    %eq3A_35 = arith.constant 0 : i32
    %eq3A_36 = arith.cmpi eq, %arg1, %eq3A_35 : i32
    %convert_element_type3A = arith.extui %eq3A_36 : i1 to i32
    %cond3A = arith.constant 0 : i32
    %cond3A_37 = arith.cmpi ne, %convert_element_type3A, %cond3A : i32
    scf.if %cond3A_37 {
      "tpu.region"() ({
        %run_scoped3A = tpu.sem_alloc : memref<!tpu.dma_semaphore, #tpu.memory_space<semaphore_mem>>
        tpu.enqueue_dma source(%arg6 : memref<289x128xf32, #tpu.memory_space<hbm>>) target(%arg21 : memref<289x128xf32, #tpu.memory_space<vmem_shared>>) target_semaphore(%run_scoped3A : memref<!tpu.dma_semaphore, #tpu.memory_space<semaphore_mem>>)
        tpu.wait_dma2 semaphore(%run_scoped3A : memref<!tpu.dma_semaphore, #tpu.memory_space<semaphore_mem>>) src(%arg6 : memref<289x128xf32, #tpu.memory_space<hbm>>) dst(%arg21 : memref<289x128xf32, #tpu.memory_space<vmem_shared>>)
        tpu.yield
      }) : () -> ()
      "tpu.region"() ({
        %run_scoped3A = tpu.sem_alloc : memref<!tpu.dma_semaphore, #tpu.memory_space<semaphore_mem>>
        tpu.enqueue_dma source(%arg7 : memref<1156x128xf32, #tpu.memory_space<hbm>>) target(%arg22 : memref<1156x128xf32, #tpu.memory_space<vmem_shared>>) target_semaphore(%run_scoped3A : memref<!tpu.dma_semaphore, #tpu.memory_space<semaphore_mem>>)
        tpu.wait_dma2 semaphore(%run_scoped3A : memref<!tpu.dma_semaphore, #tpu.memory_space<semaphore_mem>>) src(%arg7 : memref<1156x128xf32, #tpu.memory_space<hbm>>) dst(%arg22 : memref<1156x128xf32, #tpu.memory_space<vmem_shared>>)
        tpu.yield
      }) : () -> ()
    } else {
    }
    "tpu.region"() ({
      %run_scoped3A = tpu.sem_alloc : memref<!tpu.dma_semaphore, #tpu.memory_space<semaphore_mem>>
      tpu.enqueue_dma source(%arg2 : memref<16384xf32, #tpu.memory_space<hbm>>) target(%arg10 : memref<16384xf32, #tpu.memory_space<vmem>>) target_semaphore(%run_scoped3A : memref<!tpu.dma_semaphore, #tpu.memory_space<semaphore_mem>>)
      tpu.wait_dma2 semaphore(%run_scoped3A : memref<!tpu.dma_semaphore, #tpu.memory_space<semaphore_mem>>) src(%arg2 : memref<16384xf32, #tpu.memory_space<hbm>>) dst(%arg10 : memref<16384xf32, #tpu.memory_space<vmem>>)
      tpu.yield
    }) : () -> ()
    "tpu.region"() ({
      %run_scoped3A = tpu.sem_alloc : memref<!tpu.dma_semaphore, #tpu.memory_space<semaphore_mem>>
      tpu.enqueue_dma source(%arg3 : memref<2048xi32, #tpu.memory_space<hbm>>) target(%arg11 : memref<2048xi32, #tpu.memory_space<vmem>>) target_semaphore(%run_scoped3A : memref<!tpu.dma_semaphore, #tpu.memory_space<semaphore_mem>>)
      tpu.wait_dma2 semaphore(%run_scoped3A : memref<!tpu.dma_semaphore, #tpu.memory_space<semaphore_mem>>) src(%arg3 : memref<2048xi32, #tpu.memory_space<hbm>>) dst(%arg11 : memref<2048xi32, #tpu.memory_space<vmem>>)
      tpu.yield
    }) : () -> ()
    "tpu.region"() ({
      %run_scoped3A = tpu.sem_alloc : memref<!tpu.dma_semaphore, #tpu.memory_space<semaphore_mem>>
      tpu.enqueue_dma source(%arg5 : memref<2048xi32, #tpu.memory_space<hbm>>) target(%arg12 : memref<2048xi32, #tpu.memory_space<vmem>>) target_semaphore(%run_scoped3A : memref<!tpu.dma_semaphore, #tpu.memory_space<semaphore_mem>>)
      tpu.wait_dma2 semaphore(%run_scoped3A : memref<!tpu.dma_semaphore, #tpu.memory_space<semaphore_mem>>) src(%arg5 : memref<2048xi32, #tpu.memory_space<hbm>>) dst(%arg12 : memref<2048xi32, #tpu.memory_space<vmem>>)
      tpu.yield
    }) : () -> ()
    "tpu.region"() ({
      %run_scoped3A = tpu.sem_alloc : memref<!tpu.dma_semaphore, #tpu.memory_space<semaphore_mem>>
      %dma_start3A = arith.constant 0 : i32
      %dma_start3A_279 = tpu.memref_slice %arg4[%select_n3A, %dma_start3A] : memref<16x128xi32, #tpu.memory_space<hbm>> -> memref<1x128xi32, #tpu.memory_space<hbm>>
      %dma_start3A_280 = tpu.memref_squeeze %dma_start3A_279 : memref<1x128xi32, #tpu.memory_space<hbm>> -> memref<128xi32, #tpu.memory_space<hbm>>
      %dma_start3A_281 = arith.constant 0 : i32
      %dma_start3A_282 = tpu.memref_slice %arg4[%select_n3A, %dma_start3A_281] : memref<16x128xi32, #tpu.memory_space<hbm>> -> memref<1x128xi32, #tpu.memory_space<hbm>>
      %dma_start3A_283 = tpu.memref_squeeze %dma_start3A_282 : memref<1x128xi32, #tpu.memory_space<hbm>> -> memref<128xi32, #tpu.memory_space<hbm>>
      tpu.enqueue_dma source(%dma_start3A_283 : memref<128xi32, #tpu.memory_space<hbm>>) target(%arg13 : memref<128xi32, #tpu.memory_space<vmem>>) target_semaphore(%run_scoped3A : memref<!tpu.dma_semaphore, #tpu.memory_space<semaphore_mem>>)
      %dma_wait3A_284 = arith.constant 0 : i32
      %dma_wait3A_285 = tpu.memref_slice %arg4[%select_n3A, %dma_wait3A_284] : memref<16x128xi32, #tpu.memory_space<hbm>> -> memref<1x128xi32, #tpu.memory_space<hbm>>
      %dma_wait3A_286 = tpu.memref_squeeze %dma_wait3A_285 : memref<1x128xi32, #tpu.memory_space<hbm>> -> memref<128xi32, #tpu.memory_space<hbm>>
      %dma_wait3A_287 = arith.constant 0 : i32
      %dma_wait3A_288 = tpu.memref_slice %arg4[%select_n3A, %dma_wait3A_287] : memref<16x128xi32, #tpu.memory_space<hbm>> -> memref<1x128xi32, #tpu.memory_space<hbm>>
      %dma_wait3A_289 = tpu.memref_squeeze %dma_wait3A_288 : memref<1x128xi32, #tpu.memory_space<hbm>> -> memref<128xi32, #tpu.memory_space<hbm>>
      tpu.wait_dma2 semaphore(%run_scoped3A : memref<!tpu.dma_semaphore, #tpu.memory_space<semaphore_mem>>) src(%dma_wait3A_289 : memref<128xi32, #tpu.memory_space<hbm>>) dst(%arg13 : memref<128xi32, #tpu.memory_space<vmem>>)
      tpu.yield
    }) : () -> ()
    %get3A = arith.constant 0 : index
    %get3A_38 = tpu.vector_load %arg13[%get3A] {strides = array<i32>} : memref<128xi32, #tpu.memory_space<vmem>>, vector<16xi32>,
    %gather3A = tpu.vector_load_idx %arg11[%get3A_38] : memref<2048xi32, #tpu.memory_space<vmem>>[vector<16xi32>], vector<16xi32>,
    %mul3A_39 = arith.constant 8 : i32
    %mul3A_40 = vector.broadcast %mul3A_39 : i32 to vector<16xi32>
    %mul3A_41 = arith.muli %gather3A, %mul3A_40 : vector<16xi32>
    %gather3A_42 = tpu.vector_load_idx %arg10[%mul3A_41] : memref<16384xf32, #tpu.memory_space<vmem>>[vector<16xi32>], vector<16xf32>,
    %add3A_43 = arith.constant 1 : i32
    %add3A_44 = vector.broadcast %add3A_43 : i32 to vector<16xi32>
    %add3A_45 = arith.addi %mul3A_41, %add3A_44 : vector<16xi32>
    %gather3A_46 = tpu.vector_load_idx %arg10[%add3A_45] : memref<16384xf32, #tpu.memory_space<vmem>>[vector<16xi32>], vector<16xf32>,
    %gather3A_47 = tpu.vector_load_idx %arg12[%gather3A] : memref<2048xi32, #tpu.memory_space<vmem>>[vector<16xi32>], vector<16xi32>,
    %swap3A = arith.constant 0 : index
    %swap3A_48 = tpu.vector_load %arg14[%swap3A] {strides = array<i32>} : memref<128xf32, #tpu.memory_space<vmem>>, vector<16xf32>,
    tpu.vector_store %arg14[%swap3A], %gather3A_42 {strides = array<i32>} : memref<128xf32, #tpu.memory_space<vmem>>, vector<16xf32>,
    %swap3A_49 = arith.constant 0 : index
    %swap3A_50 = tpu.vector_load %arg15[%swap3A_49] {strides = array<i32>} : memref<128xf32, #tpu.memory_space<vmem>>, vector<16xf32>,
    tpu.vector_store %arg15[%swap3A_49], %gather3A_46 {strides = array<i32>} : memref<128xf32, #tpu.memory_space<vmem>>, vector<16xf32>,
    %mul3A_51 = arith.constant 289 : i32
    %mul3A_52 = vector.broadcast %mul3A_51 : i32 to vector<16xi32>
    %mul3A_53 = arith.muli %gather3A_47, %mul3A_52 : vector<16xi32>
    %swap3A_54 = arith.constant 0 : index
    %swap3A_55 = tpu.vector_load %arg16[%swap3A_54] {strides = array<i32>} : memref<128xi32, #tpu.memory_space<vmem>>, vector<16xi32>,
    tpu.vector_store %arg16[%swap3A_54], %mul3A_53 {strides = array<i32>} : memref<128xi32, #tpu.memory_space<vmem>>, vector<16xi32>,
    %get3A_56 = arith.constant 16 : index
    %get3A_57 = tpu.vector_load %arg13[%get3A_56] {strides = array<i32>} : memref<128xi32, #tpu.memory_space<vmem>>, vector<16xi32>,
    %gather3A_58 = tpu.vector_load_idx %arg11[%get3A_57] : memref<2048xi32, #tpu.memory_space<vmem>>[vector<16xi32>], vector<16xi32>,
    %mul3A_59 = arith.constant 8 : i32
    %mul3A_60 = vector.broadcast %mul3A_59 : i32 to vector<16xi32>
    %mul3A_61 = arith.muli %gather3A_58, %mul3A_60 : vector<16xi32>
    %gather3A_62 = tpu.vector_load_idx %arg10[%mul3A_61] : memref<16384xf32, #tpu.memory_space<vmem>>[vector<16xi32>], vector<16xf32>,
    %add3A_63 = arith.constant 1 : i32
    %add3A_64 = vector.broadcast %add3A_63 : i32 to vector<16xi32>
    %add3A_65 = arith.addi %mul3A_61, %add3A_64 : vector<16xi32>
    %gather3A_66 = tpu.vector_load_idx %arg10[%add3A_65] : memref<16384xf32, #tpu.memory_space<vmem>>[vector<16xi32>], vector<16xf32>,
    %gather3A_67 = tpu.vector_load_idx %arg12[%gather3A_58] : memref<2048xi32, #tpu.memory_space<vmem>>[vector<16xi32>], vector<16xi32>,
    %swap3A_68 = arith.constant 16 : index
    %swap3A_69 = tpu.vector_load %arg14[%swap3A_68] {strides = array<i32>} : memref<128xf32, #tpu.memory_space<vmem>>, vector<16xf32>,
    tpu.vector_store %arg14[%swap3A_68], %gather3A_62 {strides = array<i32>} : memref<128xf32, #tpu.memory_space<vmem>>, vector<16xf32>,
    %swap3A_70 = arith.constant 16 : index
    %swap3A_71 = tpu.vector_load %arg15[%swap3A_70] {strides = array<i32>} : memref<128xf32, #tpu.memory_space<vmem>>, vector<16xf32>,
    tpu.vector_store %arg15[%swap3A_70], %gather3A_66 {strides = array<i32>} : memref<128xf32, #tpu.memory_space<vmem>>, vector<16xf32>,
    %mul3A_72 = arith.constant 289 : i32
    %mul3A_73 = vector.broadcast %mul3A_72 : i32 to vector<16xi32>
    %mul3A_74 = arith.muli %gather3A_67, %mul3A_73 : vector<16xi32>
    %swap3A_75 = arith.constant 16 : index
    %swap3A_76 = tpu.vector_load %arg16[%swap3A_75] {strides = array<i32>} : memref<128xi32, #tpu.memory_space<vmem>>, vector<16xi32>,
    tpu.vector_store %arg16[%swap3A_75], %mul3A_74 {strides = array<i32>} : memref<128xi32, #tpu.memory_space<vmem>>, vector<16xi32>,
    %get3A_77 = arith.constant 32 : index
    %get3A_78 = tpu.vector_load %arg13[%get3A_77] {strides = array<i32>} : memref<128xi32, #tpu.memory_space<vmem>>, vector<16xi32>,
    %gather3A_79 = tpu.vector_load_idx %arg11[%get3A_78] : memref<2048xi32, #tpu.memory_space<vmem>>[vector<16xi32>], vector<16xi32>,
    %mul3A_80 = arith.constant 8 : i32
    %mul3A_81 = vector.broadcast %mul3A_80 : i32 to vector<16xi32>
    %mul3A_82 = arith.muli %gather3A_79, %mul3A_81 : vector<16xi32>
    %gather3A_83 = tpu.vector_load_idx %arg10[%mul3A_82] : memref<16384xf32, #tpu.memory_space<vmem>>[vector<16xi32>], vector<16xf32>,
    %add3A_84 = arith.constant 1 : i32
    %add3A_85 = vector.broadcast %add3A_84 : i32 to vector<16xi32>
    %add3A_86 = arith.addi %mul3A_82, %add3A_85 : vector<16xi32>
    %gather3A_87 = tpu.vector_load_idx %arg10[%add3A_86] : memref<16384xf32, #tpu.memory_space<vmem>>[vector<16xi32>], vector<16xf32>,
    %gather3A_88 = tpu.vector_load_idx %arg12[%gather3A_79] : memref<2048xi32, #tpu.memory_space<vmem>>[vector<16xi32>], vector<16xi32>,
    %swap3A_89 = arith.constant 32 : index
    %swap3A_90 = tpu.vector_load %arg14[%swap3A_89] {strides = array<i32>} : memref<128xf32, #tpu.memory_space<vmem>>, vector<16xf32>,
    tpu.vector_store %arg14[%swap3A_89], %gather3A_83 {strides = array<i32>} : memref<128xf32, #tpu.memory_space<vmem>>, vector<16xf32>,
    %swap3A_91 = arith.constant 32 : index
    %swap3A_92 = tpu.vector_load %arg15[%swap3A_91] {strides = array<i32>} : memref<128xf32, #tpu.memory_space<vmem>>, vector<16xf32>,
    tpu.vector_store %arg15[%swap3A_91], %gather3A_87 {strides = array<i32>} : memref<128xf32, #tpu.memory_space<vmem>>, vector<16xf32>,
    %mul3A_93 = arith.constant 289 : i32
    %mul3A_94 = vector.broadcast %mul3A_93 : i32 to vector<16xi32>
    %mul3A_95 = arith.muli %gather3A_88, %mul3A_94 : vector<16xi32>
    %swap3A_96 = arith.constant 32 : index
    %swap3A_97 = tpu.vector_load %arg16[%swap3A_96] {strides = array<i32>} : memref<128xi32, #tpu.memory_space<vmem>>, vector<16xi32>,
    tpu.vector_store %arg16[%swap3A_96], %mul3A_95 {strides = array<i32>} : memref<128xi32, #tpu.memory_space<vmem>>, vector<16xi32>,
    %get3A_98 = arith.constant 48 : index
    %get3A_99 = tpu.vector_load %arg13[%get3A_98] {strides = array<i32>} : memref<128xi32, #tpu.memory_space<vmem>>, vector<16xi32>,
    %gather3A_100 = tpu.vector_load_idx %arg11[%get3A_99] : memref<2048xi32, #tpu.memory_space<vmem>>[vector<16xi32>], vector<16xi32>,
    %mul3A_101 = arith.constant 8 : i32
    %mul3A_102 = vector.broadcast %mul3A_101 : i32 to vector<16xi32>
    %mul3A_103 = arith.muli %gather3A_100, %mul3A_102 : vector<16xi32>
    %gather3A_104 = tpu.vector_load_idx %arg10[%mul3A_103] : memref<16384xf32, #tpu.memory_space<vmem>>[vector<16xi32>], vector<16xf32>,
    %add3A_105 = arith.constant 1 : i32
    %add3A_106 = vector.broadcast %add3A_105 : i32 to vector<16xi32>
    %add3A_107 = arith.addi %mul3A_103, %add3A_106 : vector<16xi32>
    %gather3A_108 = tpu.vector_load_idx %arg10[%add3A_107] : memref<16384xf32, #tpu.memory_space<vmem>>[vector<16xi32>], vector<16xf32>,
    %gather3A_109 = tpu.vector_load_idx %arg12[%gather3A_100] : memref<2048xi32, #tpu.memory_space<vmem>>[vector<16xi32>], vector<16xi32>,
    %swap3A_110 = arith.constant 48 : index
    %swap3A_111 = tpu.vector_load %arg14[%swap3A_110] {strides = array<i32>} : memref<128xf32, #tpu.memory_space<vmem>>, vector<16xf32>,
    tpu.vector_store %arg14[%swap3A_110], %gather3A_104 {strides = array<i32>} : memref<128xf32, #tpu.memory_space<vmem>>, vector<16xf32>,
    %swap3A_112 = arith.constant 48 : index
    %swap3A_113 = tpu.vector_load %arg15[%swap3A_112] {strides = array<i32>} : memref<128xf32, #tpu.memory_space<vmem>>, vector<16xf32>,
    tpu.vector_store %arg15[%swap3A_112], %gather3A_108 {strides = array<i32>} : memref<128xf32, #tpu.memory_space<vmem>>, vector<16xf32>,
    %mul3A_114 = arith.constant 289 : i32
    %mul3A_115 = vector.broadcast %mul3A_114 : i32 to vector<16xi32>
    %mul3A_116 = arith.muli %gather3A_109, %mul3A_115 : vector<16xi32>
    %swap3A_117 = arith.constant 48 : index
    %swap3A_118 = tpu.vector_load %arg16[%swap3A_117] {strides = array<i32>} : memref<128xi32, #tpu.memory_space<vmem>>, vector<16xi32>,
    tpu.vector_store %arg16[%swap3A_117], %mul3A_116 {strides = array<i32>} : memref<128xi32, #tpu.memory_space<vmem>>, vector<16xi32>,
    %get3A_119 = arith.constant 64 : index
    %get3A_120 = tpu.vector_load %arg13[%get3A_119] {strides = array<i32>} : memref<128xi32, #tpu.memory_space<vmem>>, vector<16xi32>,
    %gather3A_121 = tpu.vector_load_idx %arg11[%get3A_120] : memref<2048xi32, #tpu.memory_space<vmem>>[vector<16xi32>], vector<16xi32>,
    %mul3A_122 = arith.constant 8 : i32
    %mul3A_123 = vector.broadcast %mul3A_122 : i32 to vector<16xi32>
    %mul3A_124 = arith.muli %gather3A_121, %mul3A_123 : vector<16xi32>
    %gather3A_125 = tpu.vector_load_idx %arg10[%mul3A_124] : memref<16384xf32, #tpu.memory_space<vmem>>[vector<16xi32>], vector<16xf32>,
    %add3A_126 = arith.constant 1 : i32
    %add3A_127 = vector.broadcast %add3A_126 : i32 to vector<16xi32>
    %add3A_128 = arith.addi %mul3A_124, %add3A_127 : vector<16xi32>
    %gather3A_129 = tpu.vector_load_idx %arg10[%add3A_128] : memref<16384xf32, #tpu.memory_space<vmem>>[vector<16xi32>], vector<16xf32>,
    %gather3A_130 = tpu.vector_load_idx %arg12[%gather3A_121] : memref<2048xi32, #tpu.memory_space<vmem>>[vector<16xi32>], vector<16xi32>,
    %swap3A_131 = arith.constant 64 : index
    %swap3A_132 = tpu.vector_load %arg14[%swap3A_131] {strides = array<i32>} : memref<128xf32, #tpu.memory_space<vmem>>, vector<16xf32>,
    tpu.vector_store %arg14[%swap3A_131], %gather3A_125 {strides = array<i32>} : memref<128xf32, #tpu.memory_space<vmem>>, vector<16xf32>,
    %swap3A_133 = arith.constant 64 : index
    %swap3A_134 = tpu.vector_load %arg15[%swap3A_133] {strides = array<i32>} : memref<128xf32, #tpu.memory_space<vmem>>, vector<16xf32>,
    tpu.vector_store %arg15[%swap3A_133], %gather3A_129 {strides = array<i32>} : memref<128xf32, #tpu.memory_space<vmem>>, vector<16xf32>,
    %mul3A_135 = arith.constant 289 : i32
    %mul3A_136 = vector.broadcast %mul3A_135 : i32 to vector<16xi32>
    %mul3A_137 = arith.muli %gather3A_130, %mul3A_136 : vector<16xi32>
    %swap3A_138 = arith.constant 64 : index
    %swap3A_139 = tpu.vector_load %arg16[%swap3A_138] {strides = array<i32>} : memref<128xi32, #tpu.memory_space<vmem>>, vector<16xi32>,
    tpu.vector_store %arg16[%swap3A_138], %mul3A_137 {strides = array<i32>} : memref<128xi32, #tpu.memory_space<vmem>>, vector<16xi32>,
    %get3A_140 = arith.constant 80 : index
    %get3A_141 = tpu.vector_load %arg13[%get3A_140] {strides = array<i32>} : memref<128xi32, #tpu.memory_space<vmem>>, vector<16xi32>,
    %gather3A_142 = tpu.vector_load_idx %arg11[%get3A_141] : memref<2048xi32, #tpu.memory_space<vmem>>[vector<16xi32>], vector<16xi32>,
    %mul3A_143 = arith.constant 8 : i32
    %mul3A_144 = vector.broadcast %mul3A_143 : i32 to vector<16xi32>
    %mul3A_145 = arith.muli %gather3A_142, %mul3A_144 : vector<16xi32>
    %gather3A_146 = tpu.vector_load_idx %arg10[%mul3A_145] : memref<16384xf32, #tpu.memory_space<vmem>>[vector<16xi32>], vector<16xf32>,
    %add3A_147 = arith.constant 1 : i32
    %add3A_148 = vector.broadcast %add3A_147 : i32 to vector<16xi32>
    %add3A_149 = arith.addi %mul3A_145, %add3A_148 : vector<16xi32>
    %gather3A_150 = tpu.vector_load_idx %arg10[%add3A_149] : memref<16384xf32, #tpu.memory_space<vmem>>[vector<16xi32>], vector<16xf32>,
    %gather3A_151 = tpu.vector_load_idx %arg12[%gather3A_142] : memref<2048xi32, #tpu.memory_space<vmem>>[vector<16xi32>], vector<16xi32>,
    %swap3A_152 = arith.constant 80 : index
    %swap3A_153 = tpu.vector_load %arg14[%swap3A_152] {strides = array<i32>} : memref<128xf32, #tpu.memory_space<vmem>>, vector<16xf32>,
    tpu.vector_store %arg14[%swap3A_152], %gather3A_146 {strides = array<i32>} : memref<128xf32, #tpu.memory_space<vmem>>, vector<16xf32>,
    %swap3A_154 = arith.constant 80 : index
    %swap3A_155 = tpu.vector_load %arg15[%swap3A_154] {strides = array<i32>} : memref<128xf32, #tpu.memory_space<vmem>>, vector<16xf32>,
    tpu.vector_store %arg15[%swap3A_154], %gather3A_150 {strides = array<i32>} : memref<128xf32, #tpu.memory_space<vmem>>, vector<16xf32>,
    %mul3A_156 = arith.constant 289 : i32
    %mul3A_157 = vector.broadcast %mul3A_156 : i32 to vector<16xi32>
    %mul3A_158 = arith.muli %gather3A_151, %mul3A_157 : vector<16xi32>
    %swap3A_159 = arith.constant 80 : index
    %swap3A_160 = tpu.vector_load %arg16[%swap3A_159] {strides = array<i32>} : memref<128xi32, #tpu.memory_space<vmem>>, vector<16xi32>,
    tpu.vector_store %arg16[%swap3A_159], %mul3A_158 {strides = array<i32>} : memref<128xi32, #tpu.memory_space<vmem>>, vector<16xi32>,
    %get3A_161 = arith.constant 96 : index
    %get3A_162 = tpu.vector_load %arg13[%get3A_161] {strides = array<i32>} : memref<128xi32, #tpu.memory_space<vmem>>, vector<16xi32>,
    %gather3A_163 = tpu.vector_load_idx %arg11[%get3A_162] : memref<2048xi32, #tpu.memory_space<vmem>>[vector<16xi32>], vector<16xi32>,
    %mul3A_164 = arith.constant 8 : i32
    %mul3A_165 = vector.broadcast %mul3A_164 : i32 to vector<16xi32>
    %mul3A_166 = arith.muli %gather3A_163, %mul3A_165 : vector<16xi32>
    %gather3A_167 = tpu.vector_load_idx %arg10[%mul3A_166] : memref<16384xf32, #tpu.memory_space<vmem>>[vector<16xi32>], vector<16xf32>,
    %add3A_168 = arith.constant 1 : i32
    %add3A_169 = vector.broadcast %add3A_168 : i32 to vector<16xi32>
    %add3A_170 = arith.addi %mul3A_166, %add3A_169 : vector<16xi32>
    %gather3A_171 = tpu.vector_load_idx %arg10[%add3A_170] : memref<16384xf32, #tpu.memory_space<vmem>>[vector<16xi32>], vector<16xf32>,
    %gather3A_172 = tpu.vector_load_idx %arg12[%gather3A_163] : memref<2048xi32, #tpu.memory_space<vmem>>[vector<16xi32>], vector<16xi32>,
    %swap3A_173 = arith.constant 96 : index
    %swap3A_174 = tpu.vector_load %arg14[%swap3A_173] {strides = array<i32>} : memref<128xf32, #tpu.memory_space<vmem>>, vector<16xf32>,
    tpu.vector_store %arg14[%swap3A_173], %gather3A_167 {strides = array<i32>} : memref<128xf32, #tpu.memory_space<vmem>>, vector<16xf32>,
    %swap3A_175 = arith.constant 96 : index
    %swap3A_176 = tpu.vector_load %arg15[%swap3A_175] {strides = array<i32>} : memref<128xf32, #tpu.memory_space<vmem>>, vector<16xf32>,
    tpu.vector_store %arg15[%swap3A_175], %gather3A_171 {strides = array<i32>} : memref<128xf32, #tpu.memory_space<vmem>>, vector<16xf32>,
    %mul3A_177 = arith.constant 289 : i32
    %mul3A_178 = vector.broadcast %mul3A_177 : i32 to vector<16xi32>
    %mul3A_179 = arith.muli %gather3A_172, %mul3A_178 : vector<16xi32>
    %swap3A_180 = arith.constant 96 : index
    %swap3A_181 = tpu.vector_load %arg16[%swap3A_180] {strides = array<i32>} : memref<128xi32, #tpu.memory_space<vmem>>, vector<16xi32>,
    tpu.vector_store %arg16[%swap3A_180], %mul3A_179 {strides = array<i32>} : memref<128xi32, #tpu.memory_space<vmem>>, vector<16xi32>,
    %get3A_182 = arith.constant 112 : index
    %get3A_183 = tpu.vector_load %arg13[%get3A_182] {strides = array<i32>} : memref<128xi32, #tpu.memory_space<vmem>>, vector<16xi32>,
    %gather3A_184 = tpu.vector_load_idx %arg11[%get3A_183] : memref<2048xi32, #tpu.memory_space<vmem>>[vector<16xi32>], vector<16xi32>,
    %mul3A_185 = arith.constant 8 : i32
    %mul3A_186 = vector.broadcast %mul3A_185 : i32 to vector<16xi32>
    %mul3A_187 = arith.muli %gather3A_184, %mul3A_186 : vector<16xi32>
    %gather3A_188 = tpu.vector_load_idx %arg10[%mul3A_187] : memref<16384xf32, #tpu.memory_space<vmem>>[vector<16xi32>], vector<16xf32>,
    %add3A_189 = arith.constant 1 : i32
    %add3A_190 = vector.broadcast %add3A_189 : i32 to vector<16xi32>
    %add3A_191 = arith.addi %mul3A_187, %add3A_190 : vector<16xi32>
    %gather3A_192 = tpu.vector_load_idx %arg10[%add3A_191] : memref<16384xf32, #tpu.memory_space<vmem>>[vector<16xi32>], vector<16xf32>,
    %gather3A_193 = tpu.vector_load_idx %arg12[%gather3A_184] : memref<2048xi32, #tpu.memory_space<vmem>>[vector<16xi32>], vector<16xi32>,
    %swap3A_194 = arith.constant 112 : index
    %swap3A_195 = tpu.vector_load %arg14[%swap3A_194] {strides = array<i32>} : memref<128xf32, #tpu.memory_space<vmem>>, vector<16xf32>,
    tpu.vector_store %arg14[%swap3A_194], %gather3A_188 {strides = array<i32>} : memref<128xf32, #tpu.memory_space<vmem>>, vector<16xf32>,
    %swap3A_196 = arith.constant 112 : index
    %swap3A_197 = tpu.vector_load %arg15[%swap3A_196] {strides = array<i32>} : memref<128xf32, #tpu.memory_space<vmem>>, vector<16xf32>,
    tpu.vector_store %arg15[%swap3A_196], %gather3A_192 {strides = array<i32>} : memref<128xf32, #tpu.memory_space<vmem>>, vector<16xf32>,
    %mul3A_198 = arith.constant 289 : i32
    %mul3A_199 = vector.broadcast %mul3A_198 : i32 to vector<16xi32>
    %mul3A_200 = arith.muli %gather3A_193, %mul3A_199 : vector<16xi32>
    %swap3A_201 = arith.constant 112 : index
    %swap3A_202 = tpu.vector_load %arg16[%swap3A_201] {strides = array<i32>} : memref<128xi32, #tpu.memory_space<vmem>>, vector<16xi32>,
    tpu.vector_store %arg16[%swap3A_201], %mul3A_200 {strides = array<i32>} : memref<128xi32, #tpu.memory_space<vmem>>, vector<16xi32>,
    %barrier3A = arith.constant 0 : index
    tpu.barrier barrier_id(%barrier3A)
    %scan3A = arith.constant 0 : i32
    %scan3A_203 = arith.constant 0 : i32
    %scan3A_204 = arith.constant 32 : i32
    %scan3A_205 = arith.addi %scan3A_203, %scan3A_204 : i32
    %scan3A_206 = arith.constant 1 : i32
    scf.for %scan3A_279 = %scan3A_203 to %scan3A_205 step %scan3A_206  : i32 {
      %mul3A_280 = arith.constant 2 : i32
      %mul3A_281 = arith.muli %scan3A_279, %mul3A_280 : i32
      %add3A_282 = arith.constant 0 : i32
      %add3A_283 = arith.addi %mul3A_281, %add3A_282 : i32
      %gt3A = arith.constant 0 : i32
      %gt3A_284 = arith.cmpi sgt, %scan3A_279, %gt3A : i32
      %convert_element_type3A_285 = arith.extui %gt3A_284 : i1 to i32
      %cond3A_286 = arith.constant 0 : i32
      %cond3A_287 = arith.cmpi ne, %convert_element_type3A_285, %cond3A_286 : i32
      scf.if %cond3A_287 {
        %sub3A_1426 = arith.constant 1 : i32
        %sub3A_1427 = arith.subi %scan3A_279, %sub3A_1426 : i32
        %mul3A_1428 = arith.constant 2 : i32
        %mul3A_1429 = arith.muli %sub3A_1427, %mul3A_1428 : i32
        %add3A_1430 = arith.constant 0 : i32
        %add3A_1431 = arith.addi %mul3A_1429, %add3A_1430 : i32
        %add3A_1432 = arith.addi %mul3A_18, %add3A_1431 : i32
        %mul3A_1433 = arith.constant 128 : i32
        %mul3A_1434 = arith.muli %add3A_1432, %mul3A_1433 : i32
        %dma_wait3A_1435 = arith.constant 0 : i32
        %dma_wait3A_1436 = arith.constant 0 : i32
        %dma_wait3A_1437 = arith.constant 0 : i32
        %dma_wait3A_1438 = arith.constant 0 : i32
        %dma_wait3A_1439 = tpu.memref_slice %arg19[%dma_wait3A_1435, %dma_wait3A_1437, %dma_wait3A_1438] : memref<2x128x128xf32, #tpu.memory_space<vmem>> -> memref<1x128x128xf32, #tpu.memory_space<vmem>>
        %dma_wait3A_1440 = tpu.memref_squeeze %dma_wait3A_1439 : memref<1x128x128xf32, #tpu.memory_space<vmem>> -> memref<128x128xf32, #tpu.memory_space<vmem>>
        %dma_wait3A_1441 = arith.constant 0 : i32
        %dma_wait3A_1442 = tpu.memref_slice %arg8[%mul3A_1434, %dma_wait3A_1441] : memref<262144x128xf32, #tpu.memory_space<hbm>> -> memref<128x128xf32, #tpu.memory_space<hbm>>
        %dma_wait3A_1443 = tpu.memref_slice %arg25[%dma_wait3A_1436] : memref<2x!tpu.dma_semaphore, #tpu.memory_space<semaphore_mem>> -> memref<1x!tpu.dma_semaphore, #tpu.memory_space<semaphore_mem>>
        %dma_wait3A_1444 = tpu.memref_squeeze %dma_wait3A_1443 : memref<1x!tpu.dma_semaphore, #tpu.memory_space<semaphore_mem>> -> memref<!tpu.dma_semaphore, #tpu.memory_space<semaphore_mem>>
        %dma_wait3A_1445 = arith.constant 0 : i32
        %dma_wait3A_1446 = tpu.memref_slice %arg8[%mul3A_1434, %dma_wait3A_1445] : memref<262144x128xf32, #tpu.memory_space<hbm>> -> memref<128x128xf32, #tpu.memory_space<hbm>>
        %dma_wait3A_1447 = arith.constant 0 : i32
        %dma_wait3A_1448 = arith.constant 0 : i32
        %dma_wait3A_1449 = tpu.memref_slice %arg19[%dma_wait3A_1435, %dma_wait3A_1447, %dma_wait3A_1448] : memref<2x128x128xf32, #tpu.memory_space<vmem>> -> memref<1x128x128xf32, #tpu.memory_space<vmem>>
        %dma_wait3A_1450 = tpu.memref_squeeze %dma_wait3A_1449 : memref<1x128x128xf32, #tpu.memory_space<vmem>> -> memref<128x128xf32, #tpu.memory_space<vmem>>
        tpu.wait_dma2 semaphore(%dma_wait3A_1444 : memref<!tpu.dma_semaphore, #tpu.memory_space<semaphore_mem>>) src(%dma_wait3A_1450 : memref<128x128xf32, #tpu.memory_space<vmem>>) dst(%dma_wait3A_1446 : memref<128x128xf32, #tpu.memory_space<hbm>>)
        %dma_wait3A_1451 = arith.constant 0 : i32
        %dma_wait3A_1452 = arith.constant 0 : i32
        %dma_wait3A_1453 = arith.constant 0 : i32
        %dma_wait3A_1454 = arith.constant 0 : i32
        %dma_wait3A_1455 = tpu.memref_slice %arg20[%dma_wait3A_1451, %dma_wait3A_1453, %dma_wait3A_1454] : memref<2x128x128xf32, #tpu.memory_space<vmem>> -> memref<1x128x128xf32, #tpu.memory_space<vmem>>
        %dma_wait3A_1456 = tpu.memref_squeeze %dma_wait3A_1455 : memref<1x128x128xf32, #tpu.memory_space<vmem>> -> memref<128x128xf32, #tpu.memory_space<vmem>>
        %dma_wait3A_1457 = arith.constant 0 : i32
        %dma_wait3A_1458 = tpu.memref_slice %arg9[%mul3A_1434, %dma_wait3A_1457] : memref<262144x128xf32, #tpu.memory_space<hbm>> -> memref<128x128xf32, #tpu.memory_space<hbm>>
        %dma_wait3A_1459 = tpu.memref_slice %arg26[%dma_wait3A_1452] : memref<2x!tpu.dma_semaphore, #tpu.memory_space<semaphore_mem>> -> memref<1x!tpu.dma_semaphore, #tpu.memory_space<semaphore_mem>>
        %dma_wait3A_1460 = tpu.memref_squeeze %dma_wait3A_1459 : memref<1x!tpu.dma_semaphore, #tpu.memory_space<semaphore_mem>> -> memref<!tpu.dma_semaphore, #tpu.memory_space<semaphore_mem>>
        %dma_wait3A_1461 = arith.constant 0 : i32
        %dma_wait3A_1462 = tpu.memref_slice %arg9[%mul3A_1434, %dma_wait3A_1461] : memref<262144x128xf32, #tpu.memory_space<hbm>> -> memref<128x128xf32, #tpu.memory_space<hbm>>
        %dma_wait3A_1463 = arith.constant 0 : i32
        %dma_wait3A_1464 = arith.constant 0 : i32
        %dma_wait3A_1465 = tpu.memref_slice %arg20[%dma_wait3A_1451, %dma_wait3A_1463, %dma_wait3A_1464] : memref<2x128x128xf32, #tpu.memory_space<vmem>> -> memref<1x128x128xf32, #tpu.memory_space<vmem>>
        %dma_wait3A_1466 = tpu.memref_squeeze %dma_wait3A_1465 : memref<1x128x128xf32, #tpu.memory_space<vmem>> -> memref<128x128xf32, #tpu.memory_space<vmem>>
        tpu.wait_dma2 semaphore(%dma_wait3A_1460 : memref<!tpu.dma_semaphore, #tpu.memory_space<semaphore_mem>>) src(%dma_wait3A_1466 : memref<128x128xf32, #tpu.memory_space<vmem>>) dst(%dma_wait3A_1462 : memref<128x128xf32, #tpu.memory_space<hbm>>)
      } else {
      }
      %add3A_288 = arith.addi %mul3A_34, %add3A_283 : i32
      %broadcast_in_dim3A = vector.broadcast %add3A_288 : i32 to vector<16xi32>
      %gather3A_289 = tpu.vector_load_idx %arg14[%broadcast_in_dim3A] : memref<128xf32, #tpu.memory_space<vmem>>[vector<16xi32>], vector<16xf32>,
      %gather3A_290 = tpu.vector_load_idx %arg15[%broadcast_in_dim3A] : memref<128xf32, #tpu.memory_space<vmem>>[vector<16xi32>], vector<16xf32>,
      %get3A_291 = arith.constant 0 : index
      %get3A_292 = tpu.vector_load %arg14[%get3A_291] {strides = array<i32>} : memref<128xf32, #tpu.memory_space<vmem>>, vector<16xf32>,
      %sub3A_293 = arith.subf %get3A_292, %gather3A_289 : vector<16xf32>
      %max3A = arith.constant -8.000000e+00 : f32
      %max3A_294 = vector.broadcast %max3A : f32 to vector<16xf32>
      %max3A_295 = arith.maximumf %sub3A_293, %max3A_294 : vector<16xf32>
      %min3A = arith.constant 8.000000e+00 : f32
      %min3A_296 = vector.broadcast %min3A : f32 to vector<16xf32>
      %min3A_297 = arith.minimumf %max3A_295, %min3A_296 : vector<16xf32>
      %get3A_298 = arith.constant 0 : index
      %get3A_299 = tpu.vector_load %arg15[%get3A_298] {strides = array<i32>} : memref<128xf32, #tpu.memory_space<vmem>>, vector<16xf32>,
      %sub3A_300 = arith.subf %get3A_299, %gather3A_290 : vector<16xf32>
      %max3A_301 = arith.constant -8.000000e+00 : f32
      %max3A_302 = vector.broadcast %max3A_301 : f32 to vector<16xf32>
      %max3A_303 = arith.maximumf %sub3A_300, %max3A_302 : vector<16xf32>
      %min3A_304 = arith.constant 8.000000e+00 : f32
      %min3A_305 = vector.broadcast %min3A_304 : f32 to vector<16xf32>
      %min3A_306 = arith.minimumf %max3A_303, %min3A_305 : vector<16xf32>
      %add3A_307 = arith.constant 8.000000e+00 : f32
      %add3A_308 = vector.broadcast %add3A_307 : f32 to vector<16xf32>
      %add3A_309 = arith.addf %min3A_297, %add3A_308 : vector<16xf32>
      %add3A_310 = arith.constant 8.000000e+00 : f32
      %add3A_311 = vector.broadcast %add3A_310 : f32 to vector<16xf32>
      %add3A_312 = arith.addf %min3A_306, %add3A_311 : vector<16xf32>
      %mul3A_313 = arith.constant 1.700000e+01 : f32
      %mul3A_314 = vector.broadcast %mul3A_313 : f32 to vector<16xf32>
      %mul3A_315 = arith.mulf %mul3A_314, %add3A_312 : vector<16xf32>
      %add3A_316 = arith.addf %add3A_309, %mul3A_315 : vector<16xf32>
      %convert_element_type3A_317 = arith.fptosi %add3A_316 : vector<16xf32> to vector<16xi32>
      %convert_element_type3A_318 = arith.sitofp %convert_element_type3A_317 : vector<16xi32> to vector<16xf32>
      %sub3A_319 = arith.subf %add3A_316, %convert_element_type3A_318 : vector<16xf32>
      %gt3A_320 = arith.constant 5.000000e-01 : f32
      %gt3A_321 = vector.broadcast %gt3A_320 : f32 to vector<16xf32>
      %gt3A_322 = arith.cmpf ogt, %sub3A_319, %gt3A_321 : vector<16xf32>
      %eq3A_323 = arith.constant 5.000000e-01 : f32
      %eq3A_324 = vector.broadcast %eq3A_323 : f32 to vector<16xf32>
      %eq3A_325 = arith.cmpf oeq, %sub3A_319, %eq3A_324 : vector<16xf32>
      %and3A_326 = arith.constant 1 : i32
      %and3A_327 = vector.broadcast %and3A_326 : i32 to vector<16xi32>
      %and3A_328 = arith.andi %convert_element_type3A_317, %and3A_327 : vector<16xi32>
      %eq3A_329 = arith.constant 1 : i32
      %eq3A_330 = vector.broadcast %eq3A_329 : i32 to vector<16xi32>
      %eq3A_331 = arith.cmpi eq, %and3A_328, %eq3A_330 : vector<16xi32>
      %and3A_332 = arith.andi %eq3A_325, %eq3A_331 : vector<16xi1>
      %or3A = arith.ori %gt3A_322, %and3A_332 : vector<16xi1>
      %convert_element_type3A_333 = arith.extui %or3A : vector<16xi1> to vector<16xi32>
      %add3A_334 = arith.addi %convert_element_type3A_317, %convert_element_type3A_333 : vector<16xi32>
      %swap3A_335 = arith.constant 0 : i32
      %swap3A_336 = arith.index_cast %swap3A_335 : i32 to index
      %swap3A_337 = arith.constant 0 : index
      %swap3A_338 = tpu.vector_load %arg17[%swap3A_336, %swap3A_337] {strides = array<i32>} : memref<2x128xi32, #tpu.memory_space<vmem>>, vector<16xi32>,
      tpu.vector_store %arg17[%swap3A_336, %swap3A_337], %add3A_334 {strides = array<i32>} : memref<2x128xi32, #tpu.memory_space<vmem>>, vector<16xi32>,
      %get3A_339 = arith.constant 0 : index
      %get3A_340 = tpu.vector_load %arg16[%get3A_339] {strides = array<i32>} : memref<128xi32, #tpu.memory_space<vmem>>, vector<16xi32>,
      %add3A_341 = arith.addi %add3A_334, %get3A_340 : vector<16xi32>
      %swap3A_342 = arith.constant 0 : i32
      %swap3A_343 = arith.index_cast %swap3A_342 : i32 to index
      %swap3A_344 = arith.constant 0 : index
      %swap3A_345 = tpu.vector_load %arg18[%swap3A_343, %swap3A_344] {strides = array<i32>} : memref<2x128xi32, #tpu.memory_space<vmem>>, vector<16xi32>,
      tpu.vector_store %arg18[%swap3A_343, %swap3A_344], %add3A_341 {strides = array<i32>} : memref<2x128xi32, #tpu.memory_space<vmem>>, vector<16xi32>,
      %get3A_346 = arith.constant 16 : index
      %get3A_347 = tpu.vector_load %arg14[%get3A_346] {strides = array<i32>} : memref<128xf32, #tpu.memory_space<vmem>>, vector<16xf32>,
      %sub3A_348 = arith.subf %get3A_347, %gather3A_289 : vector<16xf32>
      %max3A_349 = arith.constant -8.000000e+00 : f32
      %max3A_350 = vector.broadcast %max3A_349 : f32 to vector<16xf32>
      %max3A_351 = arith.maximumf %sub3A_348, %max3A_350 : vector<16xf32>
      %min3A_352 = arith.constant 8.000000e+00 : f32
      %min3A_353 = vector.broadcast %min3A_352 : f32 to vector<16xf32>
      %min3A_354 = arith.minimumf %max3A_351, %min3A_353 : vector<16xf32>
      %get3A_355 = arith.constant 16 : index
      %get3A_356 = tpu.vector_load %arg15[%get3A_355] {strides = array<i32>} : memref<128xf32, #tpu.memory_space<vmem>>, vector<16xf32>,
      %sub3A_357 = arith.subf %get3A_356, %gather3A_290 : vector<16xf32>
      %max3A_358 = arith.constant -8.000000e+00 : f32
      %max3A_359 = vector.broadcast %max3A_358 : f32 to vector<16xf32>
      %max3A_360 = arith.maximumf %sub3A_357, %max3A_359 : vector<16xf32>
      %min3A_361 = arith.constant 8.000000e+00 : f32
      %min3A_362 = vector.broadcast %min3A_361 : f32 to vector<16xf32>
      %min3A_363 = arith.minimumf %max3A_360, %min3A_362 : vector<16xf32>
      %add3A_364 = arith.constant 8.000000e+00 : f32
      %add3A_365 = vector.broadcast %add3A_364 : f32 to vector<16xf32>
      %add3A_366 = arith.addf %min3A_354, %add3A_365 : vector<16xf32>
      %add3A_367 = arith.constant 8.000000e+00 : f32
      %add3A_368 = vector.broadcast %add3A_367 : f32 to vector<16xf32>
      %add3A_369 = arith.addf %min3A_363, %add3A_368 : vector<16xf32>
      %mul3A_370 = arith.constant 1.700000e+01 : f32
      %mul3A_371 = vector.broadcast %mul3A_370 : f32 to vector<16xf32>
      %mul3A_372 = arith.mulf %mul3A_371, %add3A_369 : vector<16xf32>
      %add3A_373 = arith.addf %add3A_366, %mul3A_372 : vector<16xf32>
      %convert_element_type3A_374 = arith.fptosi %add3A_373 : vector<16xf32> to vector<16xi32>
      %convert_element_type3A_375 = arith.sitofp %convert_element_type3A_374 : vector<16xi32> to vector<16xf32>
      %sub3A_376 = arith.subf %add3A_373, %convert_element_type3A_375 : vector<16xf32>
      %gt3A_377 = arith.constant 5.000000e-01 : f32
      %gt3A_378 = vector.broadcast %gt3A_377 : f32 to vector<16xf32>
      %gt3A_379 = arith.cmpf ogt, %sub3A_376, %gt3A_378 : vector<16xf32>
      %eq3A_380 = arith.constant 5.000000e-01 : f32
      %eq3A_381 = vector.broadcast %eq3A_380 : f32 to vector<16xf32>
      %eq3A_382 = arith.cmpf oeq, %sub3A_376, %eq3A_381 : vector<16xf32>
      %and3A_383 = arith.constant 1 : i32
      %and3A_384 = vector.broadcast %and3A_383 : i32 to vector<16xi32>
      %and3A_385 = arith.andi %convert_element_type3A_374, %and3A_384 : vector<16xi32>
      %eq3A_386 = arith.constant 1 : i32
      %eq3A_387 = vector.broadcast %eq3A_386 : i32 to vector<16xi32>
      %eq3A_388 = arith.cmpi eq, %and3A_385, %eq3A_387 : vector<16xi32>
      %and3A_389 = arith.andi %eq3A_382, %eq3A_388 : vector<16xi1>
      %or3A_390 = arith.ori %gt3A_379, %and3A_389 : vector<16xi1>
      %convert_element_type3A_391 = arith.extui %or3A_390 : vector<16xi1> to vector<16xi32>
      %add3A_392 = arith.addi %convert_element_type3A_374, %convert_element_type3A_391 : vector<16xi32>
      %swap3A_393 = arith.constant 0 : i32
      %swap3A_394 = arith.index_cast %swap3A_393 : i32 to index
      %swap3A_395 = arith.constant 16 : index
      %swap3A_396 = tpu.vector_load %arg17[%swap3A_394, %swap3A_395] {strides = array<i32>} : memref<2x128xi32, #tpu.memory_space<vmem>>, vector<16xi32>,
      tpu.vector_store %arg17[%swap3A_394, %swap3A_395], %add3A_392 {strides = array<i32>} : memref<2x128xi32, #tpu.memory_space<vmem>>, vector<16xi32>,
      %get3A_397 = arith.constant 16 : index
      %get3A_398 = tpu.vector_load %arg16[%get3A_397] {strides = array<i32>} : memref<128xi32, #tpu.memory_space<vmem>>, vector<16xi32>,
      %add3A_399 = arith.addi %add3A_392, %get3A_398 : vector<16xi32>
      %swap3A_400 = arith.constant 0 : i32
      %swap3A_401 = arith.index_cast %swap3A_400 : i32 to index
      %swap3A_402 = arith.constant 16 : index
      %swap3A_403 = tpu.vector_load %arg18[%swap3A_401, %swap3A_402] {strides = array<i32>} : memref<2x128xi32, #tpu.memory_space<vmem>>, vector<16xi32>,
      tpu.vector_store %arg18[%swap3A_401, %swap3A_402], %add3A_399 {strides = array<i32>} : memref<2x128xi32, #tpu.memory_space<vmem>>, vector<16xi32>,
      %get3A_404 = arith.constant 32 : index
      %get3A_405 = tpu.vector_load %arg14[%get3A_404] {strides = array<i32>} : memref<128xf32, #tpu.memory_space<vmem>>, vector<16xf32>,
      %sub3A_406 = arith.subf %get3A_405, %gather3A_289 : vector<16xf32>
      %max3A_407 = arith.constant -8.000000e+00 : f32
      %max3A_408 = vector.broadcast %max3A_407 : f32 to vector<16xf32>
      %max3A_409 = arith.maximumf %sub3A_406, %max3A_408 : vector<16xf32>
      %min3A_410 = arith.constant 8.000000e+00 : f32
      %min3A_411 = vector.broadcast %min3A_410 : f32 to vector<16xf32>
      %min3A_412 = arith.minimumf %max3A_409, %min3A_411 : vector<16xf32>
      %get3A_413 = arith.constant 32 : index
      %get3A_414 = tpu.vector_load %arg15[%get3A_413] {strides = array<i32>} : memref<128xf32, #tpu.memory_space<vmem>>, vector<16xf32>,
      %sub3A_415 = arith.subf %get3A_414, %gather3A_290 : vector<16xf32>
      %max3A_416 = arith.constant -8.000000e+00 : f32
      %max3A_417 = vector.broadcast %max3A_416 : f32 to vector<16xf32>
      %max3A_418 = arith.maximumf %sub3A_415, %max3A_417 : vector<16xf32>
      %min3A_419 = arith.constant 8.000000e+00 : f32
      %min3A_420 = vector.broadcast %min3A_419 : f32 to vector<16xf32>
      %min3A_421 = arith.minimumf %max3A_418, %min3A_420 : vector<16xf32>
      %add3A_422 = arith.constant 8.000000e+00 : f32
      %add3A_423 = vector.broadcast %add3A_422 : f32 to vector<16xf32>
      %add3A_424 = arith.addf %min3A_412, %add3A_423 : vector<16xf32>
      %add3A_425 = arith.constant 8.000000e+00 : f32
      %add3A_426 = vector.broadcast %add3A_425 : f32 to vector<16xf32>
      %add3A_427 = arith.addf %min3A_421, %add3A_426 : vector<16xf32>
      %mul3A_428 = arith.constant 1.700000e+01 : f32
      %mul3A_429 = vector.broadcast %mul3A_428 : f32 to vector<16xf32>
      %mul3A_430 = arith.mulf %mul3A_429, %add3A_427 : vector<16xf32>
      %add3A_431 = arith.addf %add3A_424, %mul3A_430 : vector<16xf32>
      %convert_element_type3A_432 = arith.fptosi %add3A_431 : vector<16xf32> to vector<16xi32>
      %convert_element_type3A_433 = arith.sitofp %convert_element_type3A_432 : vector<16xi32> to vector<16xf32>
      %sub3A_434 = arith.subf %add3A_431, %convert_element_type3A_433 : vector<16xf32>
      %gt3A_435 = arith.constant 5.000000e-01 : f32
      %gt3A_436 = vector.broadcast %gt3A_435 : f32 to vector<16xf32>
      %gt3A_437 = arith.cmpf ogt, %sub3A_434, %gt3A_436 : vector<16xf32>
      %eq3A_438 = arith.constant 5.000000e-01 : f32
      %eq3A_439 = vector.broadcast %eq3A_438 : f32 to vector<16xf32>
      %eq3A_440 = arith.cmpf oeq, %sub3A_434, %eq3A_439 : vector<16xf32>
      %and3A_441 = arith.constant 1 : i32
      %and3A_442 = vector.broadcast %and3A_441 : i32 to vector<16xi32>
      %and3A_443 = arith.andi %convert_element_type3A_432, %and3A_442 : vector<16xi32>
      %eq3A_444 = arith.constant 1 : i32
      %eq3A_445 = vector.broadcast %eq3A_444 : i32 to vector<16xi32>
      %eq3A_446 = arith.cmpi eq, %and3A_443, %eq3A_445 : vector<16xi32>
      %and3A_447 = arith.andi %eq3A_440, %eq3A_446 : vector<16xi1>
      %or3A_448 = arith.ori %gt3A_437, %and3A_447 : vector<16xi1>
      %convert_element_type3A_449 = arith.extui %or3A_448 : vector<16xi1> to vector<16xi32>
      %add3A_450 = arith.addi %convert_element_type3A_432, %convert_element_type3A_449 : vector<16xi32>
      %swap3A_451 = arith.constant 0 : i32
      %swap3A_452 = arith.index_cast %swap3A_451 : i32 to index
      %swap3A_453 = arith.constant 32 : index
      %swap3A_454 = tpu.vector_load %arg17[%swap3A_452, %swap3A_453] {strides = array<i32>} : memref<2x128xi32, #tpu.memory_space<vmem>>, vector<16xi32>,
      tpu.vector_store %arg17[%swap3A_452, %swap3A_453], %add3A_450 {strides = array<i32>} : memref<2x128xi32, #tpu.memory_space<vmem>>, vector<16xi32>,
      %get3A_455 = arith.constant 32 : index
      %get3A_456 = tpu.vector_load %arg16[%get3A_455] {strides = array<i32>} : memref<128xi32, #tpu.memory_space<vmem>>, vector<16xi32>,
      %add3A_457 = arith.addi %add3A_450, %get3A_456 : vector<16xi32>
      %swap3A_458 = arith.constant 0 : i32
      %swap3A_459 = arith.index_cast %swap3A_458 : i32 to index
      %swap3A_460 = arith.constant 32 : index
      %swap3A_461 = tpu.vector_load %arg18[%swap3A_459, %swap3A_460] {strides = array<i32>} : memref<2x128xi32, #tpu.memory_space<vmem>>, vector<16xi32>,
      tpu.vector_store %arg18[%swap3A_459, %swap3A_460], %add3A_457 {strides = array<i32>} : memref<2x128xi32, #tpu.memory_space<vmem>>, vector<16xi32>,
      %get3A_462 = arith.constant 48 : index
      %get3A_463 = tpu.vector_load %arg14[%get3A_462] {strides = array<i32>} : memref<128xf32, #tpu.memory_space<vmem>>, vector<16xf32>,
      %sub3A_464 = arith.subf %get3A_463, %gather3A_289 : vector<16xf32>
      %max3A_465 = arith.constant -8.000000e+00 : f32
      %max3A_466 = vector.broadcast %max3A_465 : f32 to vector<16xf32>
      %max3A_467 = arith.maximumf %sub3A_464, %max3A_466 : vector<16xf32>
      %min3A_468 = arith.constant 8.000000e+00 : f32
      %min3A_469 = vector.broadcast %min3A_468 : f32 to vector<16xf32>
      %min3A_470 = arith.minimumf %max3A_467, %min3A_469 : vector<16xf32>
      %get3A_471 = arith.constant 48 : index
      %get3A_472 = tpu.vector_load %arg15[%get3A_471] {strides = array<i32>} : memref<128xf32, #tpu.memory_space<vmem>>, vector<16xf32>,
      %sub3A_473 = arith.subf %get3A_472, %gather3A_290 : vector<16xf32>
      %max3A_474 = arith.constant -8.000000e+00 : f32
      %max3A_475 = vector.broadcast %max3A_474 : f32 to vector<16xf32>
      %max3A_476 = arith.maximumf %sub3A_473, %max3A_475 : vector<16xf32>
      %min3A_477 = arith.constant 8.000000e+00 : f32
      %min3A_478 = vector.broadcast %min3A_477 : f32 to vector<16xf32>
      %min3A_479 = arith.minimumf %max3A_476, %min3A_478 : vector<16xf32>
      %add3A_480 = arith.constant 8.000000e+00 : f32
      %add3A_481 = vector.broadcast %add3A_480 : f32 to vector<16xf32>
      %add3A_482 = arith.addf %min3A_470, %add3A_481 : vector<16xf32>
      %add3A_483 = arith.constant 8.000000e+00 : f32
      %add3A_484 = vector.broadcast %add3A_483 : f32 to vector<16xf32>
      %add3A_485 = arith.addf %min3A_479, %add3A_484 : vector<16xf32>
      %mul3A_486 = arith.constant 1.700000e+01 : f32
      %mul3A_487 = vector.broadcast %mul3A_486 : f32 to vector<16xf32>
      %mul3A_488 = arith.mulf %mul3A_487, %add3A_485 : vector<16xf32>
      %add3A_489 = arith.addf %add3A_482, %mul3A_488 : vector<16xf32>
      %convert_element_type3A_490 = arith.fptosi %add3A_489 : vector<16xf32> to vector<16xi32>
      %convert_element_type3A_491 = arith.sitofp %convert_element_type3A_490 : vector<16xi32> to vector<16xf32>
      %sub3A_492 = arith.subf %add3A_489, %convert_element_type3A_491 : vector<16xf32>
      %gt3A_493 = arith.constant 5.000000e-01 : f32
      %gt3A_494 = vector.broadcast %gt3A_493 : f32 to vector<16xf32>
      %gt3A_495 = arith.cmpf ogt, %sub3A_492, %gt3A_494 : vector<16xf32>
      %eq3A_496 = arith.constant 5.000000e-01 : f32
      %eq3A_497 = vector.broadcast %eq3A_496 : f32 to vector<16xf32>
      %eq3A_498 = arith.cmpf oeq, %sub3A_492, %eq3A_497 : vector<16xf32>
      %and3A_499 = arith.constant 1 : i32
      %and3A_500 = vector.broadcast %and3A_499 : i32 to vector<16xi32>
      %and3A_501 = arith.andi %convert_element_type3A_490, %and3A_500 : vector<16xi32>
      %eq3A_502 = arith.constant 1 : i32
      %eq3A_503 = vector.broadcast %eq3A_502 : i32 to vector<16xi32>
      %eq3A_504 = arith.cmpi eq, %and3A_501, %eq3A_503 : vector<16xi32>
      %and3A_505 = arith.andi %eq3A_498, %eq3A_504 : vector<16xi1>
      %or3A_506 = arith.ori %gt3A_495, %and3A_505 : vector<16xi1>
      %convert_element_type3A_507 = arith.extui %or3A_506 : vector<16xi1> to vector<16xi32>
      %add3A_508 = arith.addi %convert_element_type3A_490, %convert_element_type3A_507 : vector<16xi32>
      %swap3A_509 = arith.constant 0 : i32
      %swap3A_510 = arith.index_cast %swap3A_509 : i32 to index
      %swap3A_511 = arith.constant 48 : index
      %swap3A_512 = tpu.vector_load %arg17[%swap3A_510, %swap3A_511] {strides = array<i32>} : memref<2x128xi32, #tpu.memory_space<vmem>>, vector<16xi32>,
      tpu.vector_store %arg17[%swap3A_510, %swap3A_511], %add3A_508 {strides = array<i32>} : memref<2x128xi32, #tpu.memory_space<vmem>>, vector<16xi32>,
      %get3A_513 = arith.constant 48 : index
      %get3A_514 = tpu.vector_load %arg16[%get3A_513] {strides = array<i32>} : memref<128xi32, #tpu.memory_space<vmem>>, vector<16xi32>,
      %add3A_515 = arith.addi %add3A_508, %get3A_514 : vector<16xi32>
      %swap3A_516 = arith.constant 0 : i32
      %swap3A_517 = arith.index_cast %swap3A_516 : i32 to index
      %swap3A_518 = arith.constant 48 : index
      %swap3A_519 = tpu.vector_load %arg18[%swap3A_517, %swap3A_518] {strides = array<i32>} : memref<2x128xi32, #tpu.memory_space<vmem>>, vector<16xi32>,
      tpu.vector_store %arg18[%swap3A_517, %swap3A_518], %add3A_515 {strides = array<i32>} : memref<2x128xi32, #tpu.memory_space<vmem>>, vector<16xi32>,
      %get3A_520 = arith.constant 64 : index
      %get3A_521 = tpu.vector_load %arg14[%get3A_520] {strides = array<i32>} : memref<128xf32, #tpu.memory_space<vmem>>, vector<16xf32>,
      %sub3A_522 = arith.subf %get3A_521, %gather3A_289 : vector<16xf32>
      %max3A_523 = arith.constant -8.000000e+00 : f32
      %max3A_524 = vector.broadcast %max3A_523 : f32 to vector<16xf32>
      %max3A_525 = arith.maximumf %sub3A_522, %max3A_524 : vector<16xf32>
      %min3A_526 = arith.constant 8.000000e+00 : f32
      %min3A_527 = vector.broadcast %min3A_526 : f32 to vector<16xf32>
      %min3A_528 = arith.minimumf %max3A_525, %min3A_527 : vector<16xf32>
      %get3A_529 = arith.constant 64 : index
      %get3A_530 = tpu.vector_load %arg15[%get3A_529] {strides = array<i32>} : memref<128xf32, #tpu.memory_space<vmem>>, vector<16xf32>,
      %sub3A_531 = arith.subf %get3A_530, %gather3A_290 : vector<16xf32>
      %max3A_532 = arith.constant -8.000000e+00 : f32
      %max3A_533 = vector.broadcast %max3A_532 : f32 to vector<16xf32>
      %max3A_534 = arith.maximumf %sub3A_531, %max3A_533 : vector<16xf32>
      %min3A_535 = arith.constant 8.000000e+00 : f32
      %min3A_536 = vector.broadcast %min3A_535 : f32 to vector<16xf32>
      %min3A_537 = arith.minimumf %max3A_534, %min3A_536 : vector<16xf32>
      %add3A_538 = arith.constant 8.000000e+00 : f32
      %add3A_539 = vector.broadcast %add3A_538 : f32 to vector<16xf32>
      %add3A_540 = arith.addf %min3A_528, %add3A_539 : vector<16xf32>
      %add3A_541 = arith.constant 8.000000e+00 : f32
      %add3A_542 = vector.broadcast %add3A_541 : f32 to vector<16xf32>
      %add3A_543 = arith.addf %min3A_537, %add3A_542 : vector<16xf32>
      %mul3A_544 = arith.constant 1.700000e+01 : f32
      %mul3A_545 = vector.broadcast %mul3A_544 : f32 to vector<16xf32>
      %mul3A_546 = arith.mulf %mul3A_545, %add3A_543 : vector<16xf32>
      %add3A_547 = arith.addf %add3A_540, %mul3A_546 : vector<16xf32>
      %convert_element_type3A_548 = arith.fptosi %add3A_547 : vector<16xf32> to vector<16xi32>
      %convert_element_type3A_549 = arith.sitofp %convert_element_type3A_548 : vector<16xi32> to vector<16xf32>
      %sub3A_550 = arith.subf %add3A_547, %convert_element_type3A_549 : vector<16xf32>
      %gt3A_551 = arith.constant 5.000000e-01 : f32
      %gt3A_552 = vector.broadcast %gt3A_551 : f32 to vector<16xf32>
      %gt3A_553 = arith.cmpf ogt, %sub3A_550, %gt3A_552 : vector<16xf32>
      %eq3A_554 = arith.constant 5.000000e-01 : f32
      %eq3A_555 = vector.broadcast %eq3A_554 : f32 to vector<16xf32>
      %eq3A_556 = arith.cmpf oeq, %sub3A_550, %eq3A_555 : vector<16xf32>
      %and3A_557 = arith.constant 1 : i32
      %and3A_558 = vector.broadcast %and3A_557 : i32 to vector<16xi32>
      %and3A_559 = arith.andi %convert_element_type3A_548, %and3A_558 : vector<16xi32>
      %eq3A_560 = arith.constant 1 : i32
      %eq3A_561 = vector.broadcast %eq3A_560 : i32 to vector<16xi32>
      %eq3A_562 = arith.cmpi eq, %and3A_559, %eq3A_561 : vector<16xi32>
      %and3A_563 = arith.andi %eq3A_556, %eq3A_562 : vector<16xi1>
      %or3A_564 = arith.ori %gt3A_553, %and3A_563 : vector<16xi1>
      %convert_element_type3A_565 = arith.extui %or3A_564 : vector<16xi1> to vector<16xi32>
      %add3A_566 = arith.addi %convert_element_type3A_548, %convert_element_type3A_565 : vector<16xi32>
      %swap3A_567 = arith.constant 0 : i32
      %swap3A_568 = arith.index_cast %swap3A_567 : i32 to index
      %swap3A_569 = arith.constant 64 : index
      %swap3A_570 = tpu.vector_load %arg17[%swap3A_568, %swap3A_569] {strides = array<i32>} : memref<2x128xi32, #tpu.memory_space<vmem>>, vector<16xi32>,
      tpu.vector_store %arg17[%swap3A_568, %swap3A_569], %add3A_566 {strides = array<i32>} : memref<2x128xi32, #tpu.memory_space<vmem>>, vector<16xi32>,
      %get3A_571 = arith.constant 64 : index
      %get3A_572 = tpu.vector_load %arg16[%get3A_571] {strides = array<i32>} : memref<128xi32, #tpu.memory_space<vmem>>, vector<16xi32>,
      %add3A_573 = arith.addi %add3A_566, %get3A_572 : vector<16xi32>
      %swap3A_574 = arith.constant 0 : i32
      %swap3A_575 = arith.index_cast %swap3A_574 : i32 to index
      %swap3A_576 = arith.constant 64 : index
      %swap3A_577 = tpu.vector_load %arg18[%swap3A_575, %swap3A_576] {strides = array<i32>} : memref<2x128xi32, #tpu.memory_space<vmem>>, vector<16xi32>,
      tpu.vector_store %arg18[%swap3A_575, %swap3A_576], %add3A_573 {strides = array<i32>} : memref<2x128xi32, #tpu.memory_space<vmem>>, vector<16xi32>,
      %get3A_578 = arith.constant 80 : index
      %get3A_579 = tpu.vector_load %arg14[%get3A_578] {strides = array<i32>} : memref<128xf32, #tpu.memory_space<vmem>>, vector<16xf32>,
      %sub3A_580 = arith.subf %get3A_579, %gather3A_289 : vector<16xf32>
      %max3A_581 = arith.constant -8.000000e+00 : f32
      %max3A_582 = vector.broadcast %max3A_581 : f32 to vector<16xf32>
      %max3A_583 = arith.maximumf %sub3A_580, %max3A_582 : vector<16xf32>
      %min3A_584 = arith.constant 8.000000e+00 : f32
      %min3A_585 = vector.broadcast %min3A_584 : f32 to vector<16xf32>
      %min3A_586 = arith.minimumf %max3A_583, %min3A_585 : vector<16xf32>
      %get3A_587 = arith.constant 80 : index
      %get3A_588 = tpu.vector_load %arg15[%get3A_587] {strides = array<i32>} : memref<128xf32, #tpu.memory_space<vmem>>, vector<16xf32>,
      %sub3A_589 = arith.subf %get3A_588, %gather3A_290 : vector<16xf32>
      %max3A_590 = arith.constant -8.000000e+00 : f32
      %max3A_591 = vector.broadcast %max3A_590 : f32 to vector<16xf32>
      %max3A_592 = arith.maximumf %sub3A_589, %max3A_591 : vector<16xf32>
      %min3A_593 = arith.constant 8.000000e+00 : f32
      %min3A_594 = vector.broadcast %min3A_593 : f32 to vector<16xf32>
      %min3A_595 = arith.minimumf %max3A_592, %min3A_594 : vector<16xf32>
      %add3A_596 = arith.constant 8.000000e+00 : f32
      %add3A_597 = vector.broadcast %add3A_596 : f32 to vector<16xf32>
      %add3A_598 = arith.addf %min3A_586, %add3A_597 : vector<16xf32>
      %add3A_599 = arith.constant 8.000000e+00 : f32
      %add3A_600 = vector.broadcast %add3A_599 : f32 to vector<16xf32>
      %add3A_601 = arith.addf %min3A_595, %add3A_600 : vector<16xf32>
      %mul3A_602 = arith.constant 1.700000e+01 : f32
      %mul3A_603 = vector.broadcast %mul3A_602 : f32 to vector<16xf32>
      %mul3A_604 = arith.mulf %mul3A_603, %add3A_601 : vector<16xf32>
      %add3A_605 = arith.addf %add3A_598, %mul3A_604 : vector<16xf32>
      %convert_element_type3A_606 = arith.fptosi %add3A_605 : vector<16xf32> to vector<16xi32>
      %convert_element_type3A_607 = arith.sitofp %convert_element_type3A_606 : vector<16xi32> to vector<16xf32>
      %sub3A_608 = arith.subf %add3A_605, %convert_element_type3A_607 : vector<16xf32>
      %gt3A_609 = arith.constant 5.000000e-01 : f32
      %gt3A_610 = vector.broadcast %gt3A_609 : f32 to vector<16xf32>
      %gt3A_611 = arith.cmpf ogt, %sub3A_608, %gt3A_610 : vector<16xf32>
      %eq3A_612 = arith.constant 5.000000e-01 : f32
      %eq3A_613 = vector.broadcast %eq3A_612 : f32 to vector<16xf32>
      %eq3A_614 = arith.cmpf oeq, %sub3A_608, %eq3A_613 : vector<16xf32>
      %and3A_615 = arith.constant 1 : i32
      %and3A_616 = vector.broadcast %and3A_615 : i32 to vector<16xi32>
      %and3A_617 = arith.andi %convert_element_type3A_606, %and3A_616 : vector<16xi32>
      %eq3A_618 = arith.constant 1 : i32
      %eq3A_619 = vector.broadcast %eq3A_618 : i32 to vector<16xi32>
      %eq3A_620 = arith.cmpi eq, %and3A_617, %eq3A_619 : vector<16xi32>
      %and3A_621 = arith.andi %eq3A_614, %eq3A_620 : vector<16xi1>
      %or3A_622 = arith.ori %gt3A_611, %and3A_621 : vector<16xi1>
      %convert_element_type3A_623 = arith.extui %or3A_622 : vector<16xi1> to vector<16xi32>
      %add3A_624 = arith.addi %convert_element_type3A_606, %convert_element_type3A_623 : vector<16xi32>
      %swap3A_625 = arith.constant 0 : i32
      %swap3A_626 = arith.index_cast %swap3A_625 : i32 to index
      %swap3A_627 = arith.constant 80 : index
      %swap3A_628 = tpu.vector_load %arg17[%swap3A_626, %swap3A_627] {strides = array<i32>} : memref<2x128xi32, #tpu.memory_space<vmem>>, vector<16xi32>,
      tpu.vector_store %arg17[%swap3A_626, %swap3A_627], %add3A_624 {strides = array<i32>} : memref<2x128xi32, #tpu.memory_space<vmem>>, vector<16xi32>,
      %get3A_629 = arith.constant 80 : index
      %get3A_630 = tpu.vector_load %arg16[%get3A_629] {strides = array<i32>} : memref<128xi32, #tpu.memory_space<vmem>>, vector<16xi32>,
      %add3A_631 = arith.addi %add3A_624, %get3A_630 : vector<16xi32>
      %swap3A_632 = arith.constant 0 : i32
      %swap3A_633 = arith.index_cast %swap3A_632 : i32 to index
      %swap3A_634 = arith.constant 80 : index
      %swap3A_635 = tpu.vector_load %arg18[%swap3A_633, %swap3A_634] {strides = array<i32>} : memref<2x128xi32, #tpu.memory_space<vmem>>, vector<16xi32>,
      tpu.vector_store %arg18[%swap3A_633, %swap3A_634], %add3A_631 {strides = array<i32>} : memref<2x128xi32, #tpu.memory_space<vmem>>, vector<16xi32>,
      %get3A_636 = arith.constant 96 : index
      %get3A_637 = tpu.vector_load %arg14[%get3A_636] {strides = array<i32>} : memref<128xf32, #tpu.memory_space<vmem>>, vector<16xf32>,
      %sub3A_638 = arith.subf %get3A_637, %gather3A_289 : vector<16xf32>
      %max3A_639 = arith.constant -8.000000e+00 : f32
      %max3A_640 = vector.broadcast %max3A_639 : f32 to vector<16xf32>
      %max3A_641 = arith.maximumf %sub3A_638, %max3A_640 : vector<16xf32>
      %min3A_642 = arith.constant 8.000000e+00 : f32
      %min3A_643 = vector.broadcast %min3A_642 : f32 to vector<16xf32>
      %min3A_644 = arith.minimumf %max3A_641, %min3A_643 : vector<16xf32>
      %get3A_645 = arith.constant 96 : index
      %get3A_646 = tpu.vector_load %arg15[%get3A_645] {strides = array<i32>} : memref<128xf32, #tpu.memory_space<vmem>>, vector<16xf32>,
      %sub3A_647 = arith.subf %get3A_646, %gather3A_290 : vector<16xf32>
      %max3A_648 = arith.constant -8.000000e+00 : f32
      %max3A_649 = vector.broadcast %max3A_648 : f32 to vector<16xf32>
      %max3A_650 = arith.maximumf %sub3A_647, %max3A_649 : vector<16xf32>
      %min3A_651 = arith.constant 8.000000e+00 : f32
      %min3A_652 = vector.broadcast %min3A_651 : f32 to vector<16xf32>
      %min3A_653 = arith.minimumf %max3A_650, %min3A_652 : vector<16xf32>
      %add3A_654 = arith.constant 8.000000e+00 : f32
      %add3A_655 = vector.broadcast %add3A_654 : f32 to vector<16xf32>
      %add3A_656 = arith.addf %min3A_644, %add3A_655 : vector<16xf32>
      %add3A_657 = arith.constant 8.000000e+00 : f32
      %add3A_658 = vector.broadcast %add3A_657 : f32 to vector<16xf32>
      %add3A_659 = arith.addf %min3A_653, %add3A_658 : vector<16xf32>
      %mul3A_660 = arith.constant 1.700000e+01 : f32
      %mul3A_661 = vector.broadcast %mul3A_660 : f32 to vector<16xf32>
      %mul3A_662 = arith.mulf %mul3A_661, %add3A_659 : vector<16xf32>
      %add3A_663 = arith.addf %add3A_656, %mul3A_662 : vector<16xf32>
      %convert_element_type3A_664 = arith.fptosi %add3A_663 : vector<16xf32> to vector<16xi32>
      %convert_element_type3A_665 = arith.sitofp %convert_element_type3A_664 : vector<16xi32> to vector<16xf32>
      %sub3A_666 = arith.subf %add3A_663, %convert_element_type3A_665 : vector<16xf32>
      %gt3A_667 = arith.constant 5.000000e-01 : f32
      %gt3A_668 = vector.broadcast %gt3A_667 : f32 to vector<16xf32>
      %gt3A_669 = arith.cmpf ogt, %sub3A_666, %gt3A_668 : vector<16xf32>
      %eq3A_670 = arith.constant 5.000000e-01 : f32
      %eq3A_671 = vector.broadcast %eq3A_670 : f32 to vector<16xf32>
      %eq3A_672 = arith.cmpf oeq, %sub3A_666, %eq3A_671 : vector<16xf32>
      %and3A_673 = arith.constant 1 : i32
      %and3A_674 = vector.broadcast %and3A_673 : i32 to vector<16xi32>
      %and3A_675 = arith.andi %convert_element_type3A_664, %and3A_674 : vector<16xi32>
      %eq3A_676 = arith.constant 1 : i32
      %eq3A_677 = vector.broadcast %eq3A_676 : i32 to vector<16xi32>
      %eq3A_678 = arith.cmpi eq, %and3A_675, %eq3A_677 : vector<16xi32>
      %and3A_679 = arith.andi %eq3A_672, %eq3A_678 : vector<16xi1>
      %or3A_680 = arith.ori %gt3A_669, %and3A_679 : vector<16xi1>
      %convert_element_type3A_681 = arith.extui %or3A_680 : vector<16xi1> to vector<16xi32>
      %add3A_682 = arith.addi %convert_element_type3A_664, %convert_element_type3A_681 : vector<16xi32>
      %swap3A_683 = arith.constant 0 : i32
      %swap3A_684 = arith.index_cast %swap3A_683 : i32 to index
      %swap3A_685 = arith.constant 96 : index
      %swap3A_686 = tpu.vector_load %arg17[%swap3A_684, %swap3A_685] {strides = array<i32>} : memref<2x128xi32, #tpu.memory_space<vmem>>, vector<16xi32>,
      tpu.vector_store %arg17[%swap3A_684, %swap3A_685], %add3A_682 {strides = array<i32>} : memref<2x128xi32, #tpu.memory_space<vmem>>, vector<16xi32>,
      %get3A_687 = arith.constant 96 : index
      %get3A_688 = tpu.vector_load %arg16[%get3A_687] {strides = array<i32>} : memref<128xi32, #tpu.memory_space<vmem>>, vector<16xi32>,
      %add3A_689 = arith.addi %add3A_682, %get3A_688 : vector<16xi32>
      %swap3A_690 = arith.constant 0 : i32
      %swap3A_691 = arith.index_cast %swap3A_690 : i32 to index
      %swap3A_692 = arith.constant 96 : index
      %swap3A_693 = tpu.vector_load %arg18[%swap3A_691, %swap3A_692] {strides = array<i32>} : memref<2x128xi32, #tpu.memory_space<vmem>>, vector<16xi32>,
      tpu.vector_store %arg18[%swap3A_691, %swap3A_692], %add3A_689 {strides = array<i32>} : memref<2x128xi32, #tpu.memory_space<vmem>>, vector<16xi32>,
      %get3A_694 = arith.constant 112 : index
      %get3A_695 = tpu.vector_load %arg14[%get3A_694] {strides = array<i32>} : memref<128xf32, #tpu.memory_space<vmem>>, vector<16xf32>,
      %sub3A_696 = arith.subf %get3A_695, %gather3A_289 : vector<16xf32>
      %max3A_697 = arith.constant -8.000000e+00 : f32
      %max3A_698 = vector.broadcast %max3A_697 : f32 to vector<16xf32>
      %max3A_699 = arith.maximumf %sub3A_696, %max3A_698 : vector<16xf32>
      %min3A_700 = arith.constant 8.000000e+00 : f32
      %min3A_701 = vector.broadcast %min3A_700 : f32 to vector<16xf32>
      %min3A_702 = arith.minimumf %max3A_699, %min3A_701 : vector<16xf32>
      %get3A_703 = arith.constant 112 : index
      %get3A_704 = tpu.vector_load %arg15[%get3A_703] {strides = array<i32>} : memref<128xf32, #tpu.memory_space<vmem>>, vector<16xf32>,
      %sub3A_705 = arith.subf %get3A_704, %gather3A_290 : vector<16xf32>
      %max3A_706 = arith.constant -8.000000e+00 : f32
      %max3A_707 = vector.broadcast %max3A_706 : f32 to vector<16xf32>
      %max3A_708 = arith.maximumf %sub3A_705, %max3A_707 : vector<16xf32>
      %min3A_709 = arith.constant 8.000000e+00 : f32
      %min3A_710 = vector.broadcast %min3A_709 : f32 to vector<16xf32>
      %min3A_711 = arith.minimumf %max3A_708, %min3A_710 : vector<16xf32>
      %add3A_712 = arith.constant 8.000000e+00 : f32
      %add3A_713 = vector.broadcast %add3A_712 : f32 to vector<16xf32>
      %add3A_714 = arith.addf %min3A_702, %add3A_713 : vector<16xf32>
      %add3A_715 = arith.constant 8.000000e+00 : f32
      %add3A_716 = vector.broadcast %add3A_715 : f32 to vector<16xf32>
      %add3A_717 = arith.addf %min3A_711, %add3A_716 : vector<16xf32>
      %mul3A_718 = arith.constant 1.700000e+01 : f32
      %mul3A_719 = vector.broadcast %mul3A_718 : f32 to vector<16xf32>
      %mul3A_720 = arith.mulf %mul3A_719, %add3A_717 : vector<16xf32>
      %add3A_721 = arith.addf %add3A_714, %mul3A_720 : vector<16xf32>
      %convert_element_type3A_722 = arith.fptosi %add3A_721 : vector<16xf32> to vector<16xi32>
      %convert_element_type3A_723 = arith.sitofp %convert_element_type3A_722 : vector<16xi32> to vector<16xf32>
      %sub3A_724 = arith.subf %add3A_721, %convert_element_type3A_723 : vector<16xf32>
      %gt3A_725 = arith.constant 5.000000e-01 : f32
      %gt3A_726 = vector.broadcast %gt3A_725 : f32 to vector<16xf32>
      %gt3A_727 = arith.cmpf ogt, %sub3A_724, %gt3A_726 : vector<16xf32>
      %eq3A_728 = arith.constant 5.000000e-01 : f32
      %eq3A_729 = vector.broadcast %eq3A_728 : f32 to vector<16xf32>
      %eq3A_730 = arith.cmpf oeq, %sub3A_724, %eq3A_729 : vector<16xf32>
      %and3A_731 = arith.constant 1 : i32
      %and3A_732 = vector.broadcast %and3A_731 : i32 to vector<16xi32>
      %and3A_733 = arith.andi %convert_element_type3A_722, %and3A_732 : vector<16xi32>
      %eq3A_734 = arith.constant 1 : i32
      %eq3A_735 = vector.broadcast %eq3A_734 : i32 to vector<16xi32>
      %eq3A_736 = arith.cmpi eq, %and3A_733, %eq3A_735 : vector<16xi32>
      %and3A_737 = arith.andi %eq3A_730, %eq3A_736 : vector<16xi1>
      %or3A_738 = arith.ori %gt3A_727, %and3A_737 : vector<16xi1>
      %convert_element_type3A_739 = arith.extui %or3A_738 : vector<16xi1> to vector<16xi32>
      %add3A_740 = arith.addi %convert_element_type3A_722, %convert_element_type3A_739 : vector<16xi32>
      %swap3A_741 = arith.constant 0 : i32
      %swap3A_742 = arith.index_cast %swap3A_741 : i32 to index
      %swap3A_743 = arith.constant 112 : index
      %swap3A_744 = tpu.vector_load %arg17[%swap3A_742, %swap3A_743] {strides = array<i32>} : memref<2x128xi32, #tpu.memory_space<vmem>>, vector<16xi32>,
      tpu.vector_store %arg17[%swap3A_742, %swap3A_743], %add3A_740 {strides = array<i32>} : memref<2x128xi32, #tpu.memory_space<vmem>>, vector<16xi32>,
      %get3A_745 = arith.constant 112 : index
      %get3A_746 = tpu.vector_load %arg16[%get3A_745] {strides = array<i32>} : memref<128xi32, #tpu.memory_space<vmem>>, vector<16xi32>,
      %add3A_747 = arith.addi %add3A_740, %get3A_746 : vector<16xi32>
      %swap3A_748 = arith.constant 0 : i32
      %swap3A_749 = arith.index_cast %swap3A_748 : i32 to index
      %swap3A_750 = arith.constant 112 : index
      %swap3A_751 = tpu.vector_load %arg18[%swap3A_749, %swap3A_750] {strides = array<i32>} : memref<2x128xi32, #tpu.memory_space<vmem>>, vector<16xi32>,
      tpu.vector_store %arg18[%swap3A_749, %swap3A_750], %add3A_747 {strides = array<i32>} : memref<2x128xi32, #tpu.memory_space<vmem>>, vector<16xi32>,
      %dma_start3A = arith.constant 0 : i32
      %dma_start3A_752 = arith.constant 0 : i32
      %dma_start3A_753 = arith.constant 0 : i32
      %dma_start3A_754 = arith.constant 0 : i32
      %dma_start3A_755 = arith.constant 0 : i32
      %dma_start3A_756 = tpu.memref_slice %arg19[%dma_start3A_752, %dma_start3A_754, %dma_start3A_755] : memref<2x128x128xf32, #tpu.memory_space<vmem>> -> memref<1x128x128xf32, #tpu.memory_space<vmem>>
      %dma_start3A_757 = tpu.memref_squeeze %dma_start3A_756 : memref<1x128x128xf32, #tpu.memory_space<vmem>> -> memref<128x128xf32, #tpu.memory_space<vmem>>
      %dma_start3A_758 = arith.constant 0 : i32
      %dma_start3A_759 = tpu.memref_slice %arg17[%dma_start3A, %dma_start3A_758] : memref<2x128xi32, #tpu.memory_space<vmem>> -> memref<1x128xi32, #tpu.memory_space<vmem>>
      %dma_start3A_760 = tpu.memref_squeeze %dma_start3A_759 : memref<1x128xi32, #tpu.memory_space<vmem>> -> memref<128xi32, #tpu.memory_space<vmem>>
      %dma_start3A_761 = arith.constant 0 : i32
      %dma_start3A_762 = arith.constant 0 : i32
      %dma_start3A_763 = tpu.memref_slice %arg21[%dma_start3A_761, %dma_start3A_762] : memref<289x128xf32, #tpu.memory_space<vmem_shared>> -> memref<289x128xf32, #tpu.memory_space<vmem_shared>>
      %dma_start3A_764 = tpu.memref_slice %arg23[%dma_start3A_753] : memref<2x!tpu.dma_semaphore, #tpu.memory_space<semaphore_mem>> -> memref<1x!tpu.dma_semaphore, #tpu.memory_space<semaphore_mem>>
      %dma_start3A_765 = tpu.memref_squeeze %dma_start3A_764 : memref<1x!tpu.dma_semaphore, #tpu.memory_space<semaphore_mem>> -> memref<!tpu.dma_semaphore, #tpu.memory_space<semaphore_mem>>
      tpu.enqueue_indirect_dma source(%dma_start3A_763 : memref<289x128xf32, #tpu.memory_space<vmem_shared>>) target(%dma_start3A_757 : memref<128x128xf32, #tpu.memory_space<vmem>>) offsets(%dma_start3A_760 : memref<128xi32, #tpu.memory_space<vmem>>) semaphore(%dma_start3A_765 : memref<!tpu.dma_semaphore, #tpu.memory_space<semaphore_mem>>)
      %dma_start3A_766 = arith.constant 0 : i32
      %dma_start3A_767 = arith.constant 0 : i32
      %dma_start3A_768 = arith.constant 0 : i32
      %dma_start3A_769 = arith.constant 0 : i32
      %dma_start3A_770 = arith.constant 0 : i32
      %dma_start3A_771 = tpu.memref_slice %arg20[%dma_start3A_767, %dma_start3A_769, %dma_start3A_770] : memref<2x128x128xf32, #tpu.memory_space<vmem>> -> memref<1x128x128xf32, #tpu.memory_space<vmem>>
      %dma_start3A_772 = tpu.memref_squeeze %dma_start3A_771 : memref<1x128x128xf32, #tpu.memory_space<vmem>> -> memref<128x128xf32, #tpu.memory_space<vmem>>
      %dma_start3A_773 = arith.constant 0 : i32
      %dma_start3A_774 = tpu.memref_slice %arg18[%dma_start3A_766, %dma_start3A_773] : memref<2x128xi32, #tpu.memory_space<vmem>> -> memref<1x128xi32, #tpu.memory_space<vmem>>
      %dma_start3A_775 = tpu.memref_squeeze %dma_start3A_774 : memref<1x128xi32, #tpu.memory_space<vmem>> -> memref<128xi32, #tpu.memory_space<vmem>>
      %dma_start3A_776 = arith.constant 0 : i32
      %dma_start3A_777 = arith.constant 0 : i32
      %dma_start3A_778 = tpu.memref_slice %arg22[%dma_start3A_776, %dma_start3A_777] : memref<1156x128xf32, #tpu.memory_space<vmem_shared>> -> memref<1156x128xf32, #tpu.memory_space<vmem_shared>>
      %dma_start3A_779 = tpu.memref_slice %arg24[%dma_start3A_768] : memref<2x!tpu.dma_semaphore, #tpu.memory_space<semaphore_mem>> -> memref<1x!tpu.dma_semaphore, #tpu.memory_space<semaphore_mem>>
      %dma_start3A_780 = tpu.memref_squeeze %dma_start3A_779 : memref<1x!tpu.dma_semaphore, #tpu.memory_space<semaphore_mem>> -> memref<!tpu.dma_semaphore, #tpu.memory_space<semaphore_mem>>
      tpu.enqueue_indirect_dma source(%dma_start3A_778 : memref<1156x128xf32, #tpu.memory_space<vmem_shared>>) target(%dma_start3A_772 : memref<128x128xf32, #tpu.memory_space<vmem>>) offsets(%dma_start3A_775 : memref<128xi32, #tpu.memory_space<vmem>>) semaphore(%dma_start3A_780 : memref<!tpu.dma_semaphore, #tpu.memory_space<semaphore_mem>>)
      %mul3A_781 = arith.constant 2 : i32
      %mul3A_782 = arith.muli %scan3A_279, %mul3A_781 : i32
      %add3A_783 = arith.constant 1 : i32
      %add3A_784 = arith.addi %mul3A_782, %add3A_783 : i32
      %gt3A_785 = arith.constant 0 : i32
      %gt3A_786 = arith.cmpi sgt, %scan3A_279, %gt3A_785 : i32
      %convert_element_type3A_787 = arith.extui %gt3A_786 : i1 to i32
      %cond3A_788 = arith.constant 0 : i32
      %cond3A_789 = arith.cmpi ne, %convert_element_type3A_787, %cond3A_788 : i32
      scf.if %cond3A_789 {
        %sub3A_1426 = arith.constant 1 : i32
        %sub3A_1427 = arith.subi %scan3A_279, %sub3A_1426 : i32
        %mul3A_1428 = arith.constant 2 : i32
        %mul3A_1429 = arith.muli %sub3A_1427, %mul3A_1428 : i32
        %add3A_1430 = arith.constant 1 : i32
        %add3A_1431 = arith.addi %mul3A_1429, %add3A_1430 : i32
        %add3A_1432 = arith.addi %mul3A_18, %add3A_1431 : i32
        %mul3A_1433 = arith.constant 128 : i32
        %mul3A_1434 = arith.muli %add3A_1432, %mul3A_1433 : i32
        %dma_wait3A_1435 = arith.constant 1 : i32
        %dma_wait3A_1436 = arith.constant 1 : i32
        %dma_wait3A_1437 = arith.constant 0 : i32
        %dma_wait3A_1438 = arith.constant 0 : i32
        %dma_wait3A_1439 = tpu.memref_slice %arg19[%dma_wait3A_1435, %dma_wait3A_1437, %dma_wait3A_1438] : memref<2x128x128xf32, #tpu.memory_space<vmem>> -> memref<1x128x128xf32, #tpu.memory_space<vmem>>
        %dma_wait3A_1440 = tpu.memref_squeeze %dma_wait3A_1439 : memref<1x128x128xf32, #tpu.memory_space<vmem>> -> memref<128x128xf32, #tpu.memory_space<vmem>>
        %dma_wait3A_1441 = arith.constant 0 : i32
        %dma_wait3A_1442 = tpu.memref_slice %arg8[%mul3A_1434, %dma_wait3A_1441] : memref<262144x128xf32, #tpu.memory_space<hbm>> -> memref<128x128xf32, #tpu.memory_space<hbm>>
        %dma_wait3A_1443 = tpu.memref_slice %arg25[%dma_wait3A_1436] : memref<2x!tpu.dma_semaphore, #tpu.memory_space<semaphore_mem>> -> memref<1x!tpu.dma_semaphore, #tpu.memory_space<semaphore_mem>>
        %dma_wait3A_1444 = tpu.memref_squeeze %dma_wait3A_1443 : memref<1x!tpu.dma_semaphore, #tpu.memory_space<semaphore_mem>> -> memref<!tpu.dma_semaphore, #tpu.memory_space<semaphore_mem>>
        %dma_wait3A_1445 = arith.constant 0 : i32
        %dma_wait3A_1446 = tpu.memref_slice %arg8[%mul3A_1434, %dma_wait3A_1445] : memref<262144x128xf32, #tpu.memory_space<hbm>> -> memref<128x128xf32, #tpu.memory_space<hbm>>
        %dma_wait3A_1447 = arith.constant 0 : i32
        %dma_wait3A_1448 = arith.constant 0 : i32
        %dma_wait3A_1449 = tpu.memref_slice %arg19[%dma_wait3A_1435, %dma_wait3A_1447, %dma_wait3A_1448] : memref<2x128x128xf32, #tpu.memory_space<vmem>> -> memref<1x128x128xf32, #tpu.memory_space<vmem>>
        %dma_wait3A_1450 = tpu.memref_squeeze %dma_wait3A_1449 : memref<1x128x128xf32, #tpu.memory_space<vmem>> -> memref<128x128xf32, #tpu.memory_space<vmem>>
        tpu.wait_dma2 semaphore(%dma_wait3A_1444 : memref<!tpu.dma_semaphore, #tpu.memory_space<semaphore_mem>>) src(%dma_wait3A_1450 : memref<128x128xf32, #tpu.memory_space<vmem>>) dst(%dma_wait3A_1446 : memref<128x128xf32, #tpu.memory_space<hbm>>)
        %dma_wait3A_1451 = arith.constant 1 : i32
        %dma_wait3A_1452 = arith.constant 1 : i32
        %dma_wait3A_1453 = arith.constant 0 : i32
        %dma_wait3A_1454 = arith.constant 0 : i32
        %dma_wait3A_1455 = tpu.memref_slice %arg20[%dma_wait3A_1451, %dma_wait3A_1453, %dma_wait3A_1454] : memref<2x128x128xf32, #tpu.memory_space<vmem>> -> memref<1x128x128xf32, #tpu.memory_space<vmem>>
        %dma_wait3A_1456 = tpu.memref_squeeze %dma_wait3A_1455 : memref<1x128x128xf32, #tpu.memory_space<vmem>> -> memref<128x128xf32, #tpu.memory_space<vmem>>
        %dma_wait3A_1457 = arith.constant 0 : i32
        %dma_wait3A_1458 = tpu.memref_slice %arg9[%mul3A_1434, %dma_wait3A_1457] : memref<262144x128xf32, #tpu.memory_space<hbm>> -> memref<128x128xf32, #tpu.memory_space<hbm>>
        %dma_wait3A_1459 = tpu.memref_slice %arg26[%dma_wait3A_1452] : memref<2x!tpu.dma_semaphore, #tpu.memory_space<semaphore_mem>> -> memref<1x!tpu.dma_semaphore, #tpu.memory_space<semaphore_mem>>
        %dma_wait3A_1460 = tpu.memref_squeeze %dma_wait3A_1459 : memref<1x!tpu.dma_semaphore, #tpu.memory_space<semaphore_mem>> -> memref<!tpu.dma_semaphore, #tpu.memory_space<semaphore_mem>>
        %dma_wait3A_1461 = arith.constant 0 : i32
        %dma_wait3A_1462 = tpu.memref_slice %arg9[%mul3A_1434, %dma_wait3A_1461] : memref<262144x128xf32, #tpu.memory_space<hbm>> -> memref<128x128xf32, #tpu.memory_space<hbm>>
        %dma_wait3A_1463 = arith.constant 0 : i32
        %dma_wait3A_1464 = arith.constant 0 : i32
        %dma_wait3A_1465 = tpu.memref_slice %arg20[%dma_wait3A_1451, %dma_wait3A_1463, %dma_wait3A_1464] : memref<2x128x128xf32, #tpu.memory_space<vmem>> -> memref<1x128x128xf32, #tpu.memory_space<vmem>>
        %dma_wait3A_1466 = tpu.memref_squeeze %dma_wait3A_1465 : memref<1x128x128xf32, #tpu.memory_space<vmem>> -> memref<128x128xf32, #tpu.memory_space<vmem>>
        tpu.wait_dma2 semaphore(%dma_wait3A_1460 : memref<!tpu.dma_semaphore, #tpu.memory_space<semaphore_mem>>) src(%dma_wait3A_1466 : memref<128x128xf32, #tpu.memory_space<vmem>>) dst(%dma_wait3A_1462 : memref<128x128xf32, #tpu.memory_space<hbm>>)
      } else {
      }
      %add3A_790 = arith.addi %mul3A_34, %add3A_784 : i32
      %broadcast_in_dim3A_791 = vector.broadcast %add3A_790 : i32 to vector<16xi32>
      %gather3A_792 = tpu.vector_load_idx %arg14[%broadcast_in_dim3A_791] : memref<128xf32, #tpu.memory_space<vmem>>[vector<16xi32>], vector<16xf32>,
      %gather3A_793 = tpu.vector_load_idx %arg15[%broadcast_in_dim3A_791] : memref<128xf32, #tpu.memory_space<vmem>>[vector<16xi32>], vector<16xf32>,
      %get3A_794 = arith.constant 0 : index
      %get3A_795 = tpu.vector_load %arg14[%get3A_794] {strides = array<i32>} : memref<128xf32, #tpu.memory_space<vmem>>, vector<16xf32>,
      %sub3A_796 = arith.subf %get3A_795, %gather3A_792 : vector<16xf32>
      %max3A_797 = arith.constant -8.000000e+00 : f32
      %max3A_798 = vector.broadcast %max3A_797 : f32 to vector<16xf32>
      %max3A_799 = arith.maximumf %sub3A_796, %max3A_798 : vector<16xf32>
      %min3A_800 = arith.constant 8.000000e+00 : f32
      %min3A_801 = vector.broadcast %min3A_800 : f32 to vector<16xf32>
      %min3A_802 = arith.minimumf %max3A_799, %min3A_801 : vector<16xf32>
      %get3A_803 = arith.constant 0 : index
      %get3A_804 = tpu.vector_load %arg15[%get3A_803] {strides = array<i32>} : memref<128xf32, #tpu.memory_space<vmem>>, vector<16xf32>,
      %sub3A_805 = arith.subf %get3A_804, %gather3A_793 : vector<16xf32>
      %max3A_806 = arith.constant -8.000000e+00 : f32
      %max3A_807 = vector.broadcast %max3A_806 : f32 to vector<16xf32>
      %max3A_808 = arith.maximumf %sub3A_805, %max3A_807 : vector<16xf32>
      %min3A_809 = arith.constant 8.000000e+00 : f32
      %min3A_810 = vector.broadcast %min3A_809 : f32 to vector<16xf32>
      %min3A_811 = arith.minimumf %max3A_808, %min3A_810 : vector<16xf32>
      %add3A_812 = arith.constant 8.000000e+00 : f32
      %add3A_813 = vector.broadcast %add3A_812 : f32 to vector<16xf32>
      %add3A_814 = arith.addf %min3A_802, %add3A_813 : vector<16xf32>
      %add3A_815 = arith.constant 8.000000e+00 : f32
      %add3A_816 = vector.broadcast %add3A_815 : f32 to vector<16xf32>
      %add3A_817 = arith.addf %min3A_811, %add3A_816 : vector<16xf32>
      %mul3A_818 = arith.constant 1.700000e+01 : f32
      %mul3A_819 = vector.broadcast %mul3A_818 : f32 to vector<16xf32>
      %mul3A_820 = arith.mulf %mul3A_819, %add3A_817 : vector<16xf32>
      %add3A_821 = arith.addf %add3A_814, %mul3A_820 : vector<16xf32>
      %convert_element_type3A_822 = arith.fptosi %add3A_821 : vector<16xf32> to vector<16xi32>
      %convert_element_type3A_823 = arith.sitofp %convert_element_type3A_822 : vector<16xi32> to vector<16xf32>
      %sub3A_824 = arith.subf %add3A_821, %convert_element_type3A_823 : vector<16xf32>
      %gt3A_825 = arith.constant 5.000000e-01 : f32
      %gt3A_826 = vector.broadcast %gt3A_825 : f32 to vector<16xf32>
      %gt3A_827 = arith.cmpf ogt, %sub3A_824, %gt3A_826 : vector<16xf32>
      %eq3A_828 = arith.constant 5.000000e-01 : f32
      %eq3A_829 = vector.broadcast %eq3A_828 : f32 to vector<16xf32>
      %eq3A_830 = arith.cmpf oeq, %sub3A_824, %eq3A_829 : vector<16xf32>
      %and3A_831 = arith.constant 1 : i32
      %and3A_832 = vector.broadcast %and3A_831 : i32 to vector<16xi32>
      %and3A_833 = arith.andi %convert_element_type3A_822, %and3A_832 : vector<16xi32>
      %eq3A_834 = arith.constant 1 : i32
      %eq3A_835 = vector.broadcast %eq3A_834 : i32 to vector<16xi32>
      %eq3A_836 = arith.cmpi eq, %and3A_833, %eq3A_835 : vector<16xi32>
      %and3A_837 = arith.andi %eq3A_830, %eq3A_836 : vector<16xi1>
      %or3A_838 = arith.ori %gt3A_827, %and3A_837 : vector<16xi1>
      %convert_element_type3A_839 = arith.extui %or3A_838 : vector<16xi1> to vector<16xi32>
      %add3A_840 = arith.addi %convert_element_type3A_822, %convert_element_type3A_839 : vector<16xi32>
      %swap3A_841 = arith.constant 1 : i32
      %swap3A_842 = arith.index_cast %swap3A_841 : i32 to index
      %swap3A_843 = arith.constant 0 : index
      %swap3A_844 = tpu.vector_load %arg17[%swap3A_842, %swap3A_843] {strides = array<i32>} : memref<2x128xi32, #tpu.memory_space<vmem>>, vector<16xi32>,
      tpu.vector_store %arg17[%swap3A_842, %swap3A_843], %add3A_840 {strides = array<i32>} : memref<2x128xi32, #tpu.memory_space<vmem>>, vector<16xi32>,
      %get3A_845 = arith.constant 0 : index
      %get3A_846 = tpu.vector_load %arg16[%get3A_845] {strides = array<i32>} : memref<128xi32, #tpu.memory_space<vmem>>, vector<16xi32>,
      %add3A_847 = arith.addi %add3A_840, %get3A_846 : vector<16xi32>
      %swap3A_848 = arith.constant 1 : i32
      %swap3A_849 = arith.index_cast %swap3A_848 : i32 to index
      %swap3A_850 = arith.constant 0 : index
      %swap3A_851 = tpu.vector_load %arg18[%swap3A_849, %swap3A_850] {strides = array<i32>} : memref<2x128xi32, #tpu.memory_space<vmem>>, vector<16xi32>,
      tpu.vector_store %arg18[%swap3A_849, %swap3A_850], %add3A_847 {strides = array<i32>} : memref<2x128xi32, #tpu.memory_space<vmem>>, vector<16xi32>,
      %get3A_852 = arith.constant 16 : index
      %get3A_853 = tpu.vector_load %arg14[%get3A_852] {strides = array<i32>} : memref<128xf32, #tpu.memory_space<vmem>>, vector<16xf32>,
      %sub3A_854 = arith.subf %get3A_853, %gather3A_792 : vector<16xf32>
      %max3A_855 = arith.constant -8.000000e+00 : f32
      %max3A_856 = vector.broadcast %max3A_855 : f32 to vector<16xf32>
      %max3A_857 = arith.maximumf %sub3A_854, %max3A_856 : vector<16xf32>
      %min3A_858 = arith.constant 8.000000e+00 : f32
      %min3A_859 = vector.broadcast %min3A_858 : f32 to vector<16xf32>
      %min3A_860 = arith.minimumf %max3A_857, %min3A_859 : vector<16xf32>
      %get3A_861 = arith.constant 16 : index
      %get3A_862 = tpu.vector_load %arg15[%get3A_861] {strides = array<i32>} : memref<128xf32, #tpu.memory_space<vmem>>, vector<16xf32>,
      %sub3A_863 = arith.subf %get3A_862, %gather3A_793 : vector<16xf32>
      %max3A_864 = arith.constant -8.000000e+00 : f32
      %max3A_865 = vector.broadcast %max3A_864 : f32 to vector<16xf32>
      %max3A_866 = arith.maximumf %sub3A_863, %max3A_865 : vector<16xf32>
      %min3A_867 = arith.constant 8.000000e+00 : f32
      %min3A_868 = vector.broadcast %min3A_867 : f32 to vector<16xf32>
      %min3A_869 = arith.minimumf %max3A_866, %min3A_868 : vector<16xf32>
      %add3A_870 = arith.constant 8.000000e+00 : f32
      %add3A_871 = vector.broadcast %add3A_870 : f32 to vector<16xf32>
      %add3A_872 = arith.addf %min3A_860, %add3A_871 : vector<16xf32>
      %add3A_873 = arith.constant 8.000000e+00 : f32
      %add3A_874 = vector.broadcast %add3A_873 : f32 to vector<16xf32>
      %add3A_875 = arith.addf %min3A_869, %add3A_874 : vector<16xf32>
      %mul3A_876 = arith.constant 1.700000e+01 : f32
      %mul3A_877 = vector.broadcast %mul3A_876 : f32 to vector<16xf32>
      %mul3A_878 = arith.mulf %mul3A_877, %add3A_875 : vector<16xf32>
      %add3A_879 = arith.addf %add3A_872, %mul3A_878 : vector<16xf32>
      %convert_element_type3A_880 = arith.fptosi %add3A_879 : vector<16xf32> to vector<16xi32>
      %convert_element_type3A_881 = arith.sitofp %convert_element_type3A_880 : vector<16xi32> to vector<16xf32>
      %sub3A_882 = arith.subf %add3A_879, %convert_element_type3A_881 : vector<16xf32>
      %gt3A_883 = arith.constant 5.000000e-01 : f32
      %gt3A_884 = vector.broadcast %gt3A_883 : f32 to vector<16xf32>
      %gt3A_885 = arith.cmpf ogt, %sub3A_882, %gt3A_884 : vector<16xf32>
      %eq3A_886 = arith.constant 5.000000e-01 : f32
      %eq3A_887 = vector.broadcast %eq3A_886 : f32 to vector<16xf32>
      %eq3A_888 = arith.cmpf oeq, %sub3A_882, %eq3A_887 : vector<16xf32>
      %and3A_889 = arith.constant 1 : i32
      %and3A_890 = vector.broadcast %and3A_889 : i32 to vector<16xi32>
      %and3A_891 = arith.andi %convert_element_type3A_880, %and3A_890 : vector<16xi32>
      %eq3A_892 = arith.constant 1 : i32
      %eq3A_893 = vector.broadcast %eq3A_892 : i32 to vector<16xi32>
      %eq3A_894 = arith.cmpi eq, %and3A_891, %eq3A_893 : vector<16xi32>
      %and3A_895 = arith.andi %eq3A_888, %eq3A_894 : vector<16xi1>
      %or3A_896 = arith.ori %gt3A_885, %and3A_895 : vector<16xi1>
      %convert_element_type3A_897 = arith.extui %or3A_896 : vector<16xi1> to vector<16xi32>
      %add3A_898 = arith.addi %convert_element_type3A_880, %convert_element_type3A_897 : vector<16xi32>
      %swap3A_899 = arith.constant 1 : i32
      %swap3A_900 = arith.index_cast %swap3A_899 : i32 to index
      %swap3A_901 = arith.constant 16 : index
      %swap3A_902 = tpu.vector_load %arg17[%swap3A_900, %swap3A_901] {strides = array<i32>} : memref<2x128xi32, #tpu.memory_space<vmem>>, vector<16xi32>,
      tpu.vector_store %arg17[%swap3A_900, %swap3A_901], %add3A_898 {strides = array<i32>} : memref<2x128xi32, #tpu.memory_space<vmem>>, vector<16xi32>,
      %get3A_903 = arith.constant 16 : index
      %get3A_904 = tpu.vector_load %arg16[%get3A_903] {strides = array<i32>} : memref<128xi32, #tpu.memory_space<vmem>>, vector<16xi32>,
      %add3A_905 = arith.addi %add3A_898, %get3A_904 : vector<16xi32>
      %swap3A_906 = arith.constant 1 : i32
      %swap3A_907 = arith.index_cast %swap3A_906 : i32 to index
      %swap3A_908 = arith.constant 16 : index
      %swap3A_909 = tpu.vector_load %arg18[%swap3A_907, %swap3A_908] {strides = array<i32>} : memref<2x128xi32, #tpu.memory_space<vmem>>, vector<16xi32>,
      tpu.vector_store %arg18[%swap3A_907, %swap3A_908], %add3A_905 {strides = array<i32>} : memref<2x128xi32, #tpu.memory_space<vmem>>, vector<16xi32>,
      %get3A_910 = arith.constant 32 : index
      %get3A_911 = tpu.vector_load %arg14[%get3A_910] {strides = array<i32>} : memref<128xf32, #tpu.memory_space<vmem>>, vector<16xf32>,
      %sub3A_912 = arith.subf %get3A_911, %gather3A_792 : vector<16xf32>
      %max3A_913 = arith.constant -8.000000e+00 : f32
      %max3A_914 = vector.broadcast %max3A_913 : f32 to vector<16xf32>
      %max3A_915 = arith.maximumf %sub3A_912, %max3A_914 : vector<16xf32>
      %min3A_916 = arith.constant 8.000000e+00 : f32
      %min3A_917 = vector.broadcast %min3A_916 : f32 to vector<16xf32>
      %min3A_918 = arith.minimumf %max3A_915, %min3A_917 : vector<16xf32>
      %get3A_919 = arith.constant 32 : index
      %get3A_920 = tpu.vector_load %arg15[%get3A_919] {strides = array<i32>} : memref<128xf32, #tpu.memory_space<vmem>>, vector<16xf32>,
      %sub3A_921 = arith.subf %get3A_920, %gather3A_793 : vector<16xf32>
      %max3A_922 = arith.constant -8.000000e+00 : f32
      %max3A_923 = vector.broadcast %max3A_922 : f32 to vector<16xf32>
      %max3A_924 = arith.maximumf %sub3A_921, %max3A_923 : vector<16xf32>
      %min3A_925 = arith.constant 8.000000e+00 : f32
      %min3A_926 = vector.broadcast %min3A_925 : f32 to vector<16xf32>
      %min3A_927 = arith.minimumf %max3A_924, %min3A_926 : vector<16xf32>
      %add3A_928 = arith.constant 8.000000e+00 : f32
      %add3A_929 = vector.broadcast %add3A_928 : f32 to vector<16xf32>
      %add3A_930 = arith.addf %min3A_918, %add3A_929 : vector<16xf32>
      %add3A_931 = arith.constant 8.000000e+00 : f32
      %add3A_932 = vector.broadcast %add3A_931 : f32 to vector<16xf32>
      %add3A_933 = arith.addf %min3A_927, %add3A_932 : vector<16xf32>
      %mul3A_934 = arith.constant 1.700000e+01 : f32
      %mul3A_935 = vector.broadcast %mul3A_934 : f32 to vector<16xf32>
      %mul3A_936 = arith.mulf %mul3A_935, %add3A_933 : vector<16xf32>
      %add3A_937 = arith.addf %add3A_930, %mul3A_936 : vector<16xf32>
      %convert_element_type3A_938 = arith.fptosi %add3A_937 : vector<16xf32> to vector<16xi32>
      %convert_element_type3A_939 = arith.sitofp %convert_element_type3A_938 : vector<16xi32> to vector<16xf32>
      %sub3A_940 = arith.subf %add3A_937, %convert_element_type3A_939 : vector<16xf32>
      %gt3A_941 = arith.constant 5.000000e-01 : f32
      %gt3A_942 = vector.broadcast %gt3A_941 : f32 to vector<16xf32>
      %gt3A_943 = arith.cmpf ogt, %sub3A_940, %gt3A_942 : vector<16xf32>
      %eq3A_944 = arith.constant 5.000000e-01 : f32
      %eq3A_945 = vector.broadcast %eq3A_944 : f32 to vector<16xf32>
      %eq3A_946 = arith.cmpf oeq, %sub3A_940, %eq3A_945 : vector<16xf32>
      %and3A_947 = arith.constant 1 : i32
      %and3A_948 = vector.broadcast %and3A_947 : i32 to vector<16xi32>
      %and3A_949 = arith.andi %convert_element_type3A_938, %and3A_948 : vector<16xi32>
      %eq3A_950 = arith.constant 1 : i32
      %eq3A_951 = vector.broadcast %eq3A_950 : i32 to vector<16xi32>
      %eq3A_952 = arith.cmpi eq, %and3A_949, %eq3A_951 : vector<16xi32>
      %and3A_953 = arith.andi %eq3A_946, %eq3A_952 : vector<16xi1>
      %or3A_954 = arith.ori %gt3A_943, %and3A_953 : vector<16xi1>
      %convert_element_type3A_955 = arith.extui %or3A_954 : vector<16xi1> to vector<16xi32>
      %add3A_956 = arith.addi %convert_element_type3A_938, %convert_element_type3A_955 : vector<16xi32>
      %swap3A_957 = arith.constant 1 : i32
      %swap3A_958 = arith.index_cast %swap3A_957 : i32 to index
      %swap3A_959 = arith.constant 32 : index
      %swap3A_960 = tpu.vector_load %arg17[%swap3A_958, %swap3A_959] {strides = array<i32>} : memref<2x128xi32, #tpu.memory_space<vmem>>, vector<16xi32>,
      tpu.vector_store %arg17[%swap3A_958, %swap3A_959], %add3A_956 {strides = array<i32>} : memref<2x128xi32, #tpu.memory_space<vmem>>, vector<16xi32>,
      %get3A_961 = arith.constant 32 : index
      %get3A_962 = tpu.vector_load %arg16[%get3A_961] {strides = array<i32>} : memref<128xi32, #tpu.memory_space<vmem>>, vector<16xi32>,
      %add3A_963 = arith.addi %add3A_956, %get3A_962 : vector<16xi32>
      %swap3A_964 = arith.constant 1 : i32
      %swap3A_965 = arith.index_cast %swap3A_964 : i32 to index
      %swap3A_966 = arith.constant 32 : index
      %swap3A_967 = tpu.vector_load %arg18[%swap3A_965, %swap3A_966] {strides = array<i32>} : memref<2x128xi32, #tpu.memory_space<vmem>>, vector<16xi32>,
      tpu.vector_store %arg18[%swap3A_965, %swap3A_966], %add3A_963 {strides = array<i32>} : memref<2x128xi32, #tpu.memory_space<vmem>>, vector<16xi32>,
      %get3A_968 = arith.constant 48 : index
      %get3A_969 = tpu.vector_load %arg14[%get3A_968] {strides = array<i32>} : memref<128xf32, #tpu.memory_space<vmem>>, vector<16xf32>,
      %sub3A_970 = arith.subf %get3A_969, %gather3A_792 : vector<16xf32>
      %max3A_971 = arith.constant -8.000000e+00 : f32
      %max3A_972 = vector.broadcast %max3A_971 : f32 to vector<16xf32>
      %max3A_973 = arith.maximumf %sub3A_970, %max3A_972 : vector<16xf32>
      %min3A_974 = arith.constant 8.000000e+00 : f32
      %min3A_975 = vector.broadcast %min3A_974 : f32 to vector<16xf32>
      %min3A_976 = arith.minimumf %max3A_973, %min3A_975 : vector<16xf32>
      %get3A_977 = arith.constant 48 : index
      %get3A_978 = tpu.vector_load %arg15[%get3A_977] {strides = array<i32>} : memref<128xf32, #tpu.memory_space<vmem>>, vector<16xf32>,
      %sub3A_979 = arith.subf %get3A_978, %gather3A_793 : vector<16xf32>
      %max3A_980 = arith.constant -8.000000e+00 : f32
      %max3A_981 = vector.broadcast %max3A_980 : f32 to vector<16xf32>
      %max3A_982 = arith.maximumf %sub3A_979, %max3A_981 : vector<16xf32>
      %min3A_983 = arith.constant 8.000000e+00 : f32
      %min3A_984 = vector.broadcast %min3A_983 : f32 to vector<16xf32>
      %min3A_985 = arith.minimumf %max3A_982, %min3A_984 : vector<16xf32>
      %add3A_986 = arith.constant 8.000000e+00 : f32
      %add3A_987 = vector.broadcast %add3A_986 : f32 to vector<16xf32>
      %add3A_988 = arith.addf %min3A_976, %add3A_987 : vector<16xf32>
      %add3A_989 = arith.constant 8.000000e+00 : f32
      %add3A_990 = vector.broadcast %add3A_989 : f32 to vector<16xf32>
      %add3A_991 = arith.addf %min3A_985, %add3A_990 : vector<16xf32>
      %mul3A_992 = arith.constant 1.700000e+01 : f32
      %mul3A_993 = vector.broadcast %mul3A_992 : f32 to vector<16xf32>
      %mul3A_994 = arith.mulf %mul3A_993, %add3A_991 : vector<16xf32>
      %add3A_995 = arith.addf %add3A_988, %mul3A_994 : vector<16xf32>
      %convert_element_type3A_996 = arith.fptosi %add3A_995 : vector<16xf32> to vector<16xi32>
      %convert_element_type3A_997 = arith.sitofp %convert_element_type3A_996 : vector<16xi32> to vector<16xf32>
      %sub3A_998 = arith.subf %add3A_995, %convert_element_type3A_997 : vector<16xf32>
      %gt3A_999 = arith.constant 5.000000e-01 : f32
      %gt3A_1000 = vector.broadcast %gt3A_999 : f32 to vector<16xf32>
      %gt3A_1001 = arith.cmpf ogt, %sub3A_998, %gt3A_1000 : vector<16xf32>
      %eq3A_1002 = arith.constant 5.000000e-01 : f32
      %eq3A_1003 = vector.broadcast %eq3A_1002 : f32 to vector<16xf32>
      %eq3A_1004 = arith.cmpf oeq, %sub3A_998, %eq3A_1003 : vector<16xf32>
      %and3A_1005 = arith.constant 1 : i32
      %and3A_1006 = vector.broadcast %and3A_1005 : i32 to vector<16xi32>
      %and3A_1007 = arith.andi %convert_element_type3A_996, %and3A_1006 : vector<16xi32>
      %eq3A_1008 = arith.constant 1 : i32
      %eq3A_1009 = vector.broadcast %eq3A_1008 : i32 to vector<16xi32>
      %eq3A_1010 = arith.cmpi eq, %and3A_1007, %eq3A_1009 : vector<16xi32>
      %and3A_1011 = arith.andi %eq3A_1004, %eq3A_1010 : vector<16xi1>
      %or3A_1012 = arith.ori %gt3A_1001, %and3A_1011 : vector<16xi1>
      %convert_element_type3A_1013 = arith.extui %or3A_1012 : vector<16xi1> to vector<16xi32>
      %add3A_1014 = arith.addi %convert_element_type3A_996, %convert_element_type3A_1013 : vector<16xi32>
      %swap3A_1015 = arith.constant 1 : i32
      %swap3A_1016 = arith.index_cast %swap3A_1015 : i32 to index
      %swap3A_1017 = arith.constant 48 : index
      %swap3A_1018 = tpu.vector_load %arg17[%swap3A_1016, %swap3A_1017] {strides = array<i32>} : memref<2x128xi32, #tpu.memory_space<vmem>>, vector<16xi32>,
      tpu.vector_store %arg17[%swap3A_1016, %swap3A_1017], %add3A_1014 {strides = array<i32>} : memref<2x128xi32, #tpu.memory_space<vmem>>, vector<16xi32>,
      %get3A_1019 = arith.constant 48 : index
      %get3A_1020 = tpu.vector_load %arg16[%get3A_1019] {strides = array<i32>} : memref<128xi32, #tpu.memory_space<vmem>>, vector<16xi32>,
      %add3A_1021 = arith.addi %add3A_1014, %get3A_1020 : vector<16xi32>
      %swap3A_1022 = arith.constant 1 : i32
      %swap3A_1023 = arith.index_cast %swap3A_1022 : i32 to index
      %swap3A_1024 = arith.constant 48 : index
      %swap3A_1025 = tpu.vector_load %arg18[%swap3A_1023, %swap3A_1024] {strides = array<i32>} : memref<2x128xi32, #tpu.memory_space<vmem>>, vector<16xi32>,
      tpu.vector_store %arg18[%swap3A_1023, %swap3A_1024], %add3A_1021 {strides = array<i32>} : memref<2x128xi32, #tpu.memory_space<vmem>>, vector<16xi32>,
      %get3A_1026 = arith.constant 64 : index
      %get3A_1027 = tpu.vector_load %arg14[%get3A_1026] {strides = array<i32>} : memref<128xf32, #tpu.memory_space<vmem>>, vector<16xf32>,
      %sub3A_1028 = arith.subf %get3A_1027, %gather3A_792 : vector<16xf32>
      %max3A_1029 = arith.constant -8.000000e+00 : f32
      %max3A_1030 = vector.broadcast %max3A_1029 : f32 to vector<16xf32>
      %max3A_1031 = arith.maximumf %sub3A_1028, %max3A_1030 : vector<16xf32>
      %min3A_1032 = arith.constant 8.000000e+00 : f32
      %min3A_1033 = vector.broadcast %min3A_1032 : f32 to vector<16xf32>
      %min3A_1034 = arith.minimumf %max3A_1031, %min3A_1033 : vector<16xf32>
      %get3A_1035 = arith.constant 64 : index
      %get3A_1036 = tpu.vector_load %arg15[%get3A_1035] {strides = array<i32>} : memref<128xf32, #tpu.memory_space<vmem>>, vector<16xf32>,
      %sub3A_1037 = arith.subf %get3A_1036, %gather3A_793 : vector<16xf32>
      %max3A_1038 = arith.constant -8.000000e+00 : f32
      %max3A_1039 = vector.broadcast %max3A_1038 : f32 to vector<16xf32>
      %max3A_1040 = arith.maximumf %sub3A_1037, %max3A_1039 : vector<16xf32>
      %min3A_1041 = arith.constant 8.000000e+00 : f32
      %min3A_1042 = vector.broadcast %min3A_1041 : f32 to vector<16xf32>
      %min3A_1043 = arith.minimumf %max3A_1040, %min3A_1042 : vector<16xf32>
      %add3A_1044 = arith.constant 8.000000e+00 : f32
      %add3A_1045 = vector.broadcast %add3A_1044 : f32 to vector<16xf32>
      %add3A_1046 = arith.addf %min3A_1034, %add3A_1045 : vector<16xf32>
      %add3A_1047 = arith.constant 8.000000e+00 : f32
      %add3A_1048 = vector.broadcast %add3A_1047 : f32 to vector<16xf32>
      %add3A_1049 = arith.addf %min3A_1043, %add3A_1048 : vector<16xf32>
      %mul3A_1050 = arith.constant 1.700000e+01 : f32
      %mul3A_1051 = vector.broadcast %mul3A_1050 : f32 to vector<16xf32>
      %mul3A_1052 = arith.mulf %mul3A_1051, %add3A_1049 : vector<16xf32>
      %add3A_1053 = arith.addf %add3A_1046, %mul3A_1052 : vector<16xf32>
      %convert_element_type3A_1054 = arith.fptosi %add3A_1053 : vector<16xf32> to vector<16xi32>
      %convert_element_type3A_1055 = arith.sitofp %convert_element_type3A_1054 : vector<16xi32> to vector<16xf32>
      %sub3A_1056 = arith.subf %add3A_1053, %convert_element_type3A_1055 : vector<16xf32>
      %gt3A_1057 = arith.constant 5.000000e-01 : f32
      %gt3A_1058 = vector.broadcast %gt3A_1057 : f32 to vector<16xf32>
      %gt3A_1059 = arith.cmpf ogt, %sub3A_1056, %gt3A_1058 : vector<16xf32>
      %eq3A_1060 = arith.constant 5.000000e-01 : f32
      %eq3A_1061 = vector.broadcast %eq3A_1060 : f32 to vector<16xf32>
      %eq3A_1062 = arith.cmpf oeq, %sub3A_1056, %eq3A_1061 : vector<16xf32>
      %and3A_1063 = arith.constant 1 : i32
      %and3A_1064 = vector.broadcast %and3A_1063 : i32 to vector<16xi32>
      %and3A_1065 = arith.andi %convert_element_type3A_1054, %and3A_1064 : vector<16xi32>
      %eq3A_1066 = arith.constant 1 : i32
      %eq3A_1067 = vector.broadcast %eq3A_1066 : i32 to vector<16xi32>
      %eq3A_1068 = arith.cmpi eq, %and3A_1065, %eq3A_1067 : vector<16xi32>
      %and3A_1069 = arith.andi %eq3A_1062, %eq3A_1068 : vector<16xi1>
      %or3A_1070 = arith.ori %gt3A_1059, %and3A_1069 : vector<16xi1>
      %convert_element_type3A_1071 = arith.extui %or3A_1070 : vector<16xi1> to vector<16xi32>
      %add3A_1072 = arith.addi %convert_element_type3A_1054, %convert_element_type3A_1071 : vector<16xi32>
      %swap3A_1073 = arith.constant 1 : i32
      %swap3A_1074 = arith.index_cast %swap3A_1073 : i32 to index
      %swap3A_1075 = arith.constant 64 : index
      %swap3A_1076 = tpu.vector_load %arg17[%swap3A_1074, %swap3A_1075] {strides = array<i32>} : memref<2x128xi32, #tpu.memory_space<vmem>>, vector<16xi32>,
      tpu.vector_store %arg17[%swap3A_1074, %swap3A_1075], %add3A_1072 {strides = array<i32>} : memref<2x128xi32, #tpu.memory_space<vmem>>, vector<16xi32>,
      %get3A_1077 = arith.constant 64 : index
      %get3A_1078 = tpu.vector_load %arg16[%get3A_1077] {strides = array<i32>} : memref<128xi32, #tpu.memory_space<vmem>>, vector<16xi32>,
      %add3A_1079 = arith.addi %add3A_1072, %get3A_1078 : vector<16xi32>
      %swap3A_1080 = arith.constant 1 : i32
      %swap3A_1081 = arith.index_cast %swap3A_1080 : i32 to index
      %swap3A_1082 = arith.constant 64 : index
      %swap3A_1083 = tpu.vector_load %arg18[%swap3A_1081, %swap3A_1082] {strides = array<i32>} : memref<2x128xi32, #tpu.memory_space<vmem>>, vector<16xi32>,
      tpu.vector_store %arg18[%swap3A_1081, %swap3A_1082], %add3A_1079 {strides = array<i32>} : memref<2x128xi32, #tpu.memory_space<vmem>>, vector<16xi32>,
      %get3A_1084 = arith.constant 80 : index
      %get3A_1085 = tpu.vector_load %arg14[%get3A_1084] {strides = array<i32>} : memref<128xf32, #tpu.memory_space<vmem>>, vector<16xf32>,
      %sub3A_1086 = arith.subf %get3A_1085, %gather3A_792 : vector<16xf32>
      %max3A_1087 = arith.constant -8.000000e+00 : f32
      %max3A_1088 = vector.broadcast %max3A_1087 : f32 to vector<16xf32>
      %max3A_1089 = arith.maximumf %sub3A_1086, %max3A_1088 : vector<16xf32>
      %min3A_1090 = arith.constant 8.000000e+00 : f32
      %min3A_1091 = vector.broadcast %min3A_1090 : f32 to vector<16xf32>
      %min3A_1092 = arith.minimumf %max3A_1089, %min3A_1091 : vector<16xf32>
      %get3A_1093 = arith.constant 80 : index
      %get3A_1094 = tpu.vector_load %arg15[%get3A_1093] {strides = array<i32>} : memref<128xf32, #tpu.memory_space<vmem>>, vector<16xf32>,
      %sub3A_1095 = arith.subf %get3A_1094, %gather3A_793 : vector<16xf32>
      %max3A_1096 = arith.constant -8.000000e+00 : f32
      %max3A_1097 = vector.broadcast %max3A_1096 : f32 to vector<16xf32>
      %max3A_1098 = arith.maximumf %sub3A_1095, %max3A_1097 : vector<16xf32>
      %min3A_1099 = arith.constant 8.000000e+00 : f32
      %min3A_1100 = vector.broadcast %min3A_1099 : f32 to vector<16xf32>
      %min3A_1101 = arith.minimumf %max3A_1098, %min3A_1100 : vector<16xf32>
      %add3A_1102 = arith.constant 8.000000e+00 : f32
      %add3A_1103 = vector.broadcast %add3A_1102 : f32 to vector<16xf32>
      %add3A_1104 = arith.addf %min3A_1092, %add3A_1103 : vector<16xf32>
      %add3A_1105 = arith.constant 8.000000e+00 : f32
      %add3A_1106 = vector.broadcast %add3A_1105 : f32 to vector<16xf32>
      %add3A_1107 = arith.addf %min3A_1101, %add3A_1106 : vector<16xf32>
      %mul3A_1108 = arith.constant 1.700000e+01 : f32
      %mul3A_1109 = vector.broadcast %mul3A_1108 : f32 to vector<16xf32>
      %mul3A_1110 = arith.mulf %mul3A_1109, %add3A_1107 : vector<16xf32>
      %add3A_1111 = arith.addf %add3A_1104, %mul3A_1110 : vector<16xf32>
      %convert_element_type3A_1112 = arith.fptosi %add3A_1111 : vector<16xf32> to vector<16xi32>
      %convert_element_type3A_1113 = arith.sitofp %convert_element_type3A_1112 : vector<16xi32> to vector<16xf32>
      %sub3A_1114 = arith.subf %add3A_1111, %convert_element_type3A_1113 : vector<16xf32>
      %gt3A_1115 = arith.constant 5.000000e-01 : f32
      %gt3A_1116 = vector.broadcast %gt3A_1115 : f32 to vector<16xf32>
      %gt3A_1117 = arith.cmpf ogt, %sub3A_1114, %gt3A_1116 : vector<16xf32>
      %eq3A_1118 = arith.constant 5.000000e-01 : f32
      %eq3A_1119 = vector.broadcast %eq3A_1118 : f32 to vector<16xf32>
      %eq3A_1120 = arith.cmpf oeq, %sub3A_1114, %eq3A_1119 : vector<16xf32>
      %and3A_1121 = arith.constant 1 : i32
      %and3A_1122 = vector.broadcast %and3A_1121 : i32 to vector<16xi32>
      %and3A_1123 = arith.andi %convert_element_type3A_1112, %and3A_1122 : vector<16xi32>
      %eq3A_1124 = arith.constant 1 : i32
      %eq3A_1125 = vector.broadcast %eq3A_1124 : i32 to vector<16xi32>
      %eq3A_1126 = arith.cmpi eq, %and3A_1123, %eq3A_1125 : vector<16xi32>
      %and3A_1127 = arith.andi %eq3A_1120, %eq3A_1126 : vector<16xi1>
      %or3A_1128 = arith.ori %gt3A_1117, %and3A_1127 : vector<16xi1>
      %convert_element_type3A_1129 = arith.extui %or3A_1128 : vector<16xi1> to vector<16xi32>
      %add3A_1130 = arith.addi %convert_element_type3A_1112, %convert_element_type3A_1129 : vector<16xi32>
      %swap3A_1131 = arith.constant 1 : i32
      %swap3A_1132 = arith.index_cast %swap3A_1131 : i32 to index
      %swap3A_1133 = arith.constant 80 : index
      %swap3A_1134 = tpu.vector_load %arg17[%swap3A_1132, %swap3A_1133] {strides = array<i32>} : memref<2x128xi32, #tpu.memory_space<vmem>>, vector<16xi32>,
      tpu.vector_store %arg17[%swap3A_1132, %swap3A_1133], %add3A_1130 {strides = array<i32>} : memref<2x128xi32, #tpu.memory_space<vmem>>, vector<16xi32>,
      %get3A_1135 = arith.constant 80 : index
      %get3A_1136 = tpu.vector_load %arg16[%get3A_1135] {strides = array<i32>} : memref<128xi32, #tpu.memory_space<vmem>>, vector<16xi32>,
      %add3A_1137 = arith.addi %add3A_1130, %get3A_1136 : vector<16xi32>
      %swap3A_1138 = arith.constant 1 : i32
      %swap3A_1139 = arith.index_cast %swap3A_1138 : i32 to index
      %swap3A_1140 = arith.constant 80 : index
      %swap3A_1141 = tpu.vector_load %arg18[%swap3A_1139, %swap3A_1140] {strides = array<i32>} : memref<2x128xi32, #tpu.memory_space<vmem>>, vector<16xi32>,
      tpu.vector_store %arg18[%swap3A_1139, %swap3A_1140], %add3A_1137 {strides = array<i32>} : memref<2x128xi32, #tpu.memory_space<vmem>>, vector<16xi32>,
      %get3A_1142 = arith.constant 96 : index
      %get3A_1143 = tpu.vector_load %arg14[%get3A_1142] {strides = array<i32>} : memref<128xf32, #tpu.memory_space<vmem>>, vector<16xf32>,
      %sub3A_1144 = arith.subf %get3A_1143, %gather3A_792 : vector<16xf32>
      %max3A_1145 = arith.constant -8.000000e+00 : f32
      %max3A_1146 = vector.broadcast %max3A_1145 : f32 to vector<16xf32>
      %max3A_1147 = arith.maximumf %sub3A_1144, %max3A_1146 : vector<16xf32>
      %min3A_1148 = arith.constant 8.000000e+00 : f32
      %min3A_1149 = vector.broadcast %min3A_1148 : f32 to vector<16xf32>
      %min3A_1150 = arith.minimumf %max3A_1147, %min3A_1149 : vector<16xf32>
      %get3A_1151 = arith.constant 96 : index
      %get3A_1152 = tpu.vector_load %arg15[%get3A_1151] {strides = array<i32>} : memref<128xf32, #tpu.memory_space<vmem>>, vector<16xf32>,
      %sub3A_1153 = arith.subf %get3A_1152, %gather3A_793 : vector<16xf32>
      %max3A_1154 = arith.constant -8.000000e+00 : f32
      %max3A_1155 = vector.broadcast %max3A_1154 : f32 to vector<16xf32>
      %max3A_1156 = arith.maximumf %sub3A_1153, %max3A_1155 : vector<16xf32>
      %min3A_1157 = arith.constant 8.000000e+00 : f32
      %min3A_1158 = vector.broadcast %min3A_1157 : f32 to vector<16xf32>
      %min3A_1159 = arith.minimumf %max3A_1156, %min3A_1158 : vector<16xf32>
      %add3A_1160 = arith.constant 8.000000e+00 : f32
      %add3A_1161 = vector.broadcast %add3A_1160 : f32 to vector<16xf32>
      %add3A_1162 = arith.addf %min3A_1150, %add3A_1161 : vector<16xf32>
      %add3A_1163 = arith.constant 8.000000e+00 : f32
      %add3A_1164 = vector.broadcast %add3A_1163 : f32 to vector<16xf32>
      %add3A_1165 = arith.addf %min3A_1159, %add3A_1164 : vector<16xf32>
      %mul3A_1166 = arith.constant 1.700000e+01 : f32
      %mul3A_1167 = vector.broadcast %mul3A_1166 : f32 to vector<16xf32>
      %mul3A_1168 = arith.mulf %mul3A_1167, %add3A_1165 : vector<16xf32>
      %add3A_1169 = arith.addf %add3A_1162, %mul3A_1168 : vector<16xf32>
      %convert_element_type3A_1170 = arith.fptosi %add3A_1169 : vector<16xf32> to vector<16xi32>
      %convert_element_type3A_1171 = arith.sitofp %convert_element_type3A_1170 : vector<16xi32> to vector<16xf32>
      %sub3A_1172 = arith.subf %add3A_1169, %convert_element_type3A_1171 : vector<16xf32>
      %gt3A_1173 = arith.constant 5.000000e-01 : f32
      %gt3A_1174 = vector.broadcast %gt3A_1173 : f32 to vector<16xf32>
      %gt3A_1175 = arith.cmpf ogt, %sub3A_1172, %gt3A_1174 : vector<16xf32>
      %eq3A_1176 = arith.constant 5.000000e-01 : f32
      %eq3A_1177 = vector.broadcast %eq3A_1176 : f32 to vector<16xf32>
      %eq3A_1178 = arith.cmpf oeq, %sub3A_1172, %eq3A_1177 : vector<16xf32>
      %and3A_1179 = arith.constant 1 : i32
      %and3A_1180 = vector.broadcast %and3A_1179 : i32 to vector<16xi32>
      %and3A_1181 = arith.andi %convert_element_type3A_1170, %and3A_1180 : vector<16xi32>
      %eq3A_1182 = arith.constant 1 : i32
      %eq3A_1183 = vector.broadcast %eq3A_1182 : i32 to vector<16xi32>
      %eq3A_1184 = arith.cmpi eq, %and3A_1181, %eq3A_1183 : vector<16xi32>
      %and3A_1185 = arith.andi %eq3A_1178, %eq3A_1184 : vector<16xi1>
      %or3A_1186 = arith.ori %gt3A_1175, %and3A_1185 : vector<16xi1>
      %convert_element_type3A_1187 = arith.extui %or3A_1186 : vector<16xi1> to vector<16xi32>
      %add3A_1188 = arith.addi %convert_element_type3A_1170, %convert_element_type3A_1187 : vector<16xi32>
      %swap3A_1189 = arith.constant 1 : i32
      %swap3A_1190 = arith.index_cast %swap3A_1189 : i32 to index
      %swap3A_1191 = arith.constant 96 : index
      %swap3A_1192 = tpu.vector_load %arg17[%swap3A_1190, %swap3A_1191] {strides = array<i32>} : memref<2x128xi32, #tpu.memory_space<vmem>>, vector<16xi32>,
      tpu.vector_store %arg17[%swap3A_1190, %swap3A_1191], %add3A_1188 {strides = array<i32>} : memref<2x128xi32, #tpu.memory_space<vmem>>, vector<16xi32>,
      %get3A_1193 = arith.constant 96 : index
      %get3A_1194 = tpu.vector_load %arg16[%get3A_1193] {strides = array<i32>} : memref<128xi32, #tpu.memory_space<vmem>>, vector<16xi32>,
      %add3A_1195 = arith.addi %add3A_1188, %get3A_1194 : vector<16xi32>
      %swap3A_1196 = arith.constant 1 : i32
      %swap3A_1197 = arith.index_cast %swap3A_1196 : i32 to index
      %swap3A_1198 = arith.constant 96 : index
      %swap3A_1199 = tpu.vector_load %arg18[%swap3A_1197, %swap3A_1198] {strides = array<i32>} : memref<2x128xi32, #tpu.memory_space<vmem>>, vector<16xi32>,
      tpu.vector_store %arg18[%swap3A_1197, %swap3A_1198], %add3A_1195 {strides = array<i32>} : memref<2x128xi32, #tpu.memory_space<vmem>>, vector<16xi32>,
      %get3A_1200 = arith.constant 112 : index
      %get3A_1201 = tpu.vector_load %arg14[%get3A_1200] {strides = array<i32>} : memref<128xf32, #tpu.memory_space<vmem>>, vector<16xf32>,
      %sub3A_1202 = arith.subf %get3A_1201, %gather3A_792 : vector<16xf32>
      %max3A_1203 = arith.constant -8.000000e+00 : f32
      %max3A_1204 = vector.broadcast %max3A_1203 : f32 to vector<16xf32>
      %max3A_1205 = arith.maximumf %sub3A_1202, %max3A_1204 : vector<16xf32>
      %min3A_1206 = arith.constant 8.000000e+00 : f32
      %min3A_1207 = vector.broadcast %min3A_1206 : f32 to vector<16xf32>
      %min3A_1208 = arith.minimumf %max3A_1205, %min3A_1207 : vector<16xf32>
      %get3A_1209 = arith.constant 112 : index
      %get3A_1210 = tpu.vector_load %arg15[%get3A_1209] {strides = array<i32>} : memref<128xf32, #tpu.memory_space<vmem>>, vector<16xf32>,
      %sub3A_1211 = arith.subf %get3A_1210, %gather3A_793 : vector<16xf32>
      %max3A_1212 = arith.constant -8.000000e+00 : f32
      %max3A_1213 = vector.broadcast %max3A_1212 : f32 to vector<16xf32>
      %max3A_1214 = arith.maximumf %sub3A_1211, %max3A_1213 : vector<16xf32>
      %min3A_1215 = arith.constant 8.000000e+00 : f32
      %min3A_1216 = vector.broadcast %min3A_1215 : f32 to vector<16xf32>
      %min3A_1217 = arith.minimumf %max3A_1214, %min3A_1216 : vector<16xf32>
      %add3A_1218 = arith.constant 8.000000e+00 : f32
      %add3A_1219 = vector.broadcast %add3A_1218 : f32 to vector<16xf32>
      %add3A_1220 = arith.addf %min3A_1208, %add3A_1219 : vector<16xf32>
      %add3A_1221 = arith.constant 8.000000e+00 : f32
      %add3A_1222 = vector.broadcast %add3A_1221 : f32 to vector<16xf32>
      %add3A_1223 = arith.addf %min3A_1217, %add3A_1222 : vector<16xf32>
      %mul3A_1224 = arith.constant 1.700000e+01 : f32
      %mul3A_1225 = vector.broadcast %mul3A_1224 : f32 to vector<16xf32>
      %mul3A_1226 = arith.mulf %mul3A_1225, %add3A_1223 : vector<16xf32>
      %add3A_1227 = arith.addf %add3A_1220, %mul3A_1226 : vector<16xf32>
      %convert_element_type3A_1228 = arith.fptosi %add3A_1227 : vector<16xf32> to vector<16xi32>
      %convert_element_type3A_1229 = arith.sitofp %convert_element_type3A_1228 : vector<16xi32> to vector<16xf32>
      %sub3A_1230 = arith.subf %add3A_1227, %convert_element_type3A_1229 : vector<16xf32>
      %gt3A_1231 = arith.constant 5.000000e-01 : f32
      %gt3A_1232 = vector.broadcast %gt3A_1231 : f32 to vector<16xf32>
      %gt3A_1233 = arith.cmpf ogt, %sub3A_1230, %gt3A_1232 : vector<16xf32>
      %eq3A_1234 = arith.constant 5.000000e-01 : f32
      %eq3A_1235 = vector.broadcast %eq3A_1234 : f32 to vector<16xf32>
      %eq3A_1236 = arith.cmpf oeq, %sub3A_1230, %eq3A_1235 : vector<16xf32>
      %and3A_1237 = arith.constant 1 : i32
      %and3A_1238 = vector.broadcast %and3A_1237 : i32 to vector<16xi32>
      %and3A_1239 = arith.andi %convert_element_type3A_1228, %and3A_1238 : vector<16xi32>
      %eq3A_1240 = arith.constant 1 : i32
      %eq3A_1241 = vector.broadcast %eq3A_1240 : i32 to vector<16xi32>
      %eq3A_1242 = arith.cmpi eq, %and3A_1239, %eq3A_1241 : vector<16xi32>
      %and3A_1243 = arith.andi %eq3A_1236, %eq3A_1242 : vector<16xi1>
      %or3A_1244 = arith.ori %gt3A_1233, %and3A_1243 : vector<16xi1>
      %convert_element_type3A_1245 = arith.extui %or3A_1244 : vector<16xi1> to vector<16xi32>
      %add3A_1246 = arith.addi %convert_element_type3A_1228, %convert_element_type3A_1245 : vector<16xi32>
      %swap3A_1247 = arith.constant 1 : i32
      %swap3A_1248 = arith.index_cast %swap3A_1247 : i32 to index
      %swap3A_1249 = arith.constant 112 : index
      %swap3A_1250 = tpu.vector_load %arg17[%swap3A_1248, %swap3A_1249] {strides = array<i32>} : memref<2x128xi32, #tpu.memory_space<vmem>>, vector<16xi32>,
      tpu.vector_store %arg17[%swap3A_1248, %swap3A_1249], %add3A_1246 {strides = array<i32>} : memref<2x128xi32, #tpu.memory_space<vmem>>, vector<16xi32>,
      %get3A_1251 = arith.constant 112 : index
      %get3A_1252 = tpu.vector_load %arg16[%get3A_1251] {strides = array<i32>} : memref<128xi32, #tpu.memory_space<vmem>>, vector<16xi32>,
      %add3A_1253 = arith.addi %add3A_1246, %get3A_1252 : vector<16xi32>
      %swap3A_1254 = arith.constant 1 : i32
      %swap3A_1255 = arith.index_cast %swap3A_1254 : i32 to index
      %swap3A_1256 = arith.constant 112 : index
      %swap3A_1257 = tpu.vector_load %arg18[%swap3A_1255, %swap3A_1256] {strides = array<i32>} : memref<2x128xi32, #tpu.memory_space<vmem>>, vector<16xi32>,
      tpu.vector_store %arg18[%swap3A_1255, %swap3A_1256], %add3A_1253 {strides = array<i32>} : memref<2x128xi32, #tpu.memory_space<vmem>>, vector<16xi32>,
      %dma_start3A_1258 = arith.constant 1 : i32
      %dma_start3A_1259 = arith.constant 1 : i32
      %dma_start3A_1260 = arith.constant 1 : i32
      %dma_start3A_1261 = arith.constant 0 : i32
      %dma_start3A_1262 = arith.constant 0 : i32
      %dma_start3A_1263 = tpu.memref_slice %arg19[%dma_start3A_1259, %dma_start3A_1261, %dma_start3A_1262] : memref<2x128x128xf32, #tpu.memory_space<vmem>> -> memref<1x128x128xf32, #tpu.memory_space<vmem>>
      %dma_start3A_1264 = tpu.memref_squeeze %dma_start3A_1263 : memref<1x128x128xf32, #tpu.memory_space<vmem>> -> memref<128x128xf32, #tpu.memory_space<vmem>>
      %dma_start3A_1265 = arith.constant 0 : i32
      %dma_start3A_1266 = tpu.memref_slice %arg17[%dma_start3A_1258, %dma_start3A_1265] : memref<2x128xi32, #tpu.memory_space<vmem>> -> memref<1x128xi32, #tpu.memory_space<vmem>>
      %dma_start3A_1267 = tpu.memref_squeeze %dma_start3A_1266 : memref<1x128xi32, #tpu.memory_space<vmem>> -> memref<128xi32, #tpu.memory_space<vmem>>
      %dma_start3A_1268 = arith.constant 0 : i32
      %dma_start3A_1269 = arith.constant 0 : i32
      %dma_start3A_1270 = tpu.memref_slice %arg21[%dma_start3A_1268, %dma_start3A_1269] : memref<289x128xf32, #tpu.memory_space<vmem_shared>> -> memref<289x128xf32, #tpu.memory_space<vmem_shared>>
      %dma_start3A_1271 = tpu.memref_slice %arg23[%dma_start3A_1260] : memref<2x!tpu.dma_semaphore, #tpu.memory_space<semaphore_mem>> -> memref<1x!tpu.dma_semaphore, #tpu.memory_space<semaphore_mem>>
      %dma_start3A_1272 = tpu.memref_squeeze %dma_start3A_1271 : memref<1x!tpu.dma_semaphore, #tpu.memory_space<semaphore_mem>> -> memref<!tpu.dma_semaphore, #tpu.memory_space<semaphore_mem>>
      tpu.enqueue_indirect_dma source(%dma_start3A_1270 : memref<289x128xf32, #tpu.memory_space<vmem_shared>>) target(%dma_start3A_1264 : memref<128x128xf32, #tpu.memory_space<vmem>>) offsets(%dma_start3A_1267 : memref<128xi32, #tpu.memory_space<vmem>>) semaphore(%dma_start3A_1272 : memref<!tpu.dma_semaphore, #tpu.memory_space<semaphore_mem>>)
      %dma_start3A_1273 = arith.constant 1 : i32
      %dma_start3A_1274 = arith.constant 1 : i32
      %dma_start3A_1275 = arith.constant 1 : i32
      %dma_start3A_1276 = arith.constant 0 : i32
      %dma_start3A_1277 = arith.constant 0 : i32
      %dma_start3A_1278 = tpu.memref_slice %arg20[%dma_start3A_1274, %dma_start3A_1276, %dma_start3A_1277] : memref<2x128x128xf32, #tpu.memory_space<vmem>> -> memref<1x128x128xf32, #tpu.memory_space<vmem>>
      %dma_start3A_1279 = tpu.memref_squeeze %dma_start3A_1278 : memref<1x128x128xf32, #tpu.memory_space<vmem>> -> memref<128x128xf32, #tpu.memory_space<vmem>>
      %dma_start3A_1280 = arith.constant 0 : i32
      %dma_start3A_1281 = tpu.memref_slice %arg18[%dma_start3A_1273, %dma_start3A_1280] : memref<2x128xi32, #tpu.memory_space<vmem>> -> memref<1x128xi32, #tpu.memory_space<vmem>>
      %dma_start3A_1282 = tpu.memref_squeeze %dma_start3A_1281 : memref<1x128xi32, #tpu.memory_space<vmem>> -> memref<128xi32, #tpu.memory_space<vmem>>
      %dma_start3A_1283 = arith.constant 0 : i32
      %dma_start3A_1284 = arith.constant 0 : i32
      %dma_start3A_1285 = tpu.memref_slice %arg22[%dma_start3A_1283, %dma_start3A_1284] : memref<1156x128xf32, #tpu.memory_space<vmem_shared>> -> memref<1156x128xf32, #tpu.memory_space<vmem_shared>>
      %dma_start3A_1286 = tpu.memref_slice %arg24[%dma_start3A_1275] : memref<2x!tpu.dma_semaphore, #tpu.memory_space<semaphore_mem>> -> memref<1x!tpu.dma_semaphore, #tpu.memory_space<semaphore_mem>>
      %dma_start3A_1287 = tpu.memref_squeeze %dma_start3A_1286 : memref<1x!tpu.dma_semaphore, #tpu.memory_space<semaphore_mem>> -> memref<!tpu.dma_semaphore, #tpu.memory_space<semaphore_mem>>
      tpu.enqueue_indirect_dma source(%dma_start3A_1285 : memref<1156x128xf32, #tpu.memory_space<vmem_shared>>) target(%dma_start3A_1279 : memref<128x128xf32, #tpu.memory_space<vmem>>) offsets(%dma_start3A_1282 : memref<128xi32, #tpu.memory_space<vmem>>) semaphore(%dma_start3A_1287 : memref<!tpu.dma_semaphore, #tpu.memory_space<semaphore_mem>>)
      %dma_wait3A_1288 = arith.constant 0 : i32
      %dma_wait3A_1289 = arith.constant 0 : i32
      %dma_wait3A_1290 = arith.constant 0 : i32
      %dma_wait3A_1291 = arith.constant 0 : i32
      %dma_wait3A_1292 = arith.constant 0 : i32
      %dma_wait3A_1293 = tpu.memref_slice %arg19[%dma_wait3A_1289, %dma_wait3A_1291, %dma_wait3A_1292] : memref<2x128x128xf32, #tpu.memory_space<vmem>> -> memref<1x128x128xf32, #tpu.memory_space<vmem>>
      %dma_wait3A_1294 = tpu.memref_squeeze %dma_wait3A_1293 : memref<1x128x128xf32, #tpu.memory_space<vmem>> -> memref<128x128xf32, #tpu.memory_space<vmem>>
      %dma_wait3A_1295 = arith.constant 0 : i32
      %dma_wait3A_1296 = tpu.memref_slice %arg17[%dma_wait3A_1288, %dma_wait3A_1295] : memref<2x128xi32, #tpu.memory_space<vmem>> -> memref<1x128xi32, #tpu.memory_space<vmem>>
      %dma_wait3A_1297 = tpu.memref_squeeze %dma_wait3A_1296 : memref<1x128xi32, #tpu.memory_space<vmem>> -> memref<128xi32, #tpu.memory_space<vmem>>
      %dma_wait3A_1298 = arith.constant 0 : i32
      %dma_wait3A_1299 = arith.constant 0 : i32
      %dma_wait3A_1300 = tpu.memref_slice %arg21[%dma_wait3A_1298, %dma_wait3A_1299] : memref<289x128xf32, #tpu.memory_space<vmem_shared>> -> memref<289x128xf32, #tpu.memory_space<vmem_shared>>
      %dma_wait3A_1301 = tpu.memref_slice %arg23[%dma_wait3A_1290] : memref<2x!tpu.dma_semaphore, #tpu.memory_space<semaphore_mem>> -> memref<1x!tpu.dma_semaphore, #tpu.memory_space<semaphore_mem>>
      %dma_wait3A_1302 = tpu.memref_squeeze %dma_wait3A_1301 : memref<1x!tpu.dma_semaphore, #tpu.memory_space<semaphore_mem>> -> memref<!tpu.dma_semaphore, #tpu.memory_space<semaphore_mem>>
      tpu.wait_indirect_dma semaphore(%dma_wait3A_1302 : memref<!tpu.dma_semaphore, #tpu.memory_space<semaphore_mem>>) src(%dma_wait3A_1300 : memref<289x128xf32, #tpu.memory_space<vmem_shared>>) dst(%dma_wait3A_1294 : memref<128x128xf32, #tpu.memory_space<vmem>>)
      %dma_wait3A_1303 = arith.constant 0 : i32
      %dma_wait3A_1304 = arith.constant 0 : i32
      %dma_wait3A_1305 = arith.constant 0 : i32
      %dma_wait3A_1306 = arith.constant 0 : i32
      %dma_wait3A_1307 = arith.constant 0 : i32
      %dma_wait3A_1308 = tpu.memref_slice %arg20[%dma_wait3A_1304, %dma_wait3A_1306, %dma_wait3A_1307] : memref<2x128x128xf32, #tpu.memory_space<vmem>> -> memref<1x128x128xf32, #tpu.memory_space<vmem>>
      %dma_wait3A_1309 = tpu.memref_squeeze %dma_wait3A_1308 : memref<1x128x128xf32, #tpu.memory_space<vmem>> -> memref<128x128xf32, #tpu.memory_space<vmem>>
      %dma_wait3A_1310 = arith.constant 0 : i32
      %dma_wait3A_1311 = tpu.memref_slice %arg18[%dma_wait3A_1303, %dma_wait3A_1310] : memref<2x128xi32, #tpu.memory_space<vmem>> -> memref<1x128xi32, #tpu.memory_space<vmem>>
      %dma_wait3A_1312 = tpu.memref_squeeze %dma_wait3A_1311 : memref<1x128xi32, #tpu.memory_space<vmem>> -> memref<128xi32, #tpu.memory_space<vmem>>
      %dma_wait3A_1313 = arith.constant 0 : i32
      %dma_wait3A_1314 = arith.constant 0 : i32
      %dma_wait3A_1315 = tpu.memref_slice %arg22[%dma_wait3A_1313, %dma_wait3A_1314] : memref<1156x128xf32, #tpu.memory_space<vmem_shared>> -> memref<1156x128xf32, #tpu.memory_space<vmem_shared>>
      %dma_wait3A_1316 = tpu.memref_slice %arg24[%dma_wait3A_1305] : memref<2x!tpu.dma_semaphore, #tpu.memory_space<semaphore_mem>> -> memref<1x!tpu.dma_semaphore, #tpu.memory_space<semaphore_mem>>
      %dma_wait3A_1317 = tpu.memref_squeeze %dma_wait3A_1316 : memref<1x!tpu.dma_semaphore, #tpu.memory_space<semaphore_mem>> -> memref<!tpu.dma_semaphore, #tpu.memory_space<semaphore_mem>>
      tpu.wait_indirect_dma semaphore(%dma_wait3A_1317 : memref<!tpu.dma_semaphore, #tpu.memory_space<semaphore_mem>>) src(%dma_wait3A_1315 : memref<1156x128xf32, #tpu.memory_space<vmem_shared>>) dst(%dma_wait3A_1309 : memref<128x128xf32, #tpu.memory_space<vmem>>)
      %mul3A_1318 = arith.constant 2 : i32
      %mul3A_1319 = arith.muli %scan3A_279, %mul3A_1318 : i32
      %add3A_1320 = arith.constant 0 : i32
      %add3A_1321 = arith.addi %mul3A_1319, %add3A_1320 : i32
      %add3A_1322 = arith.addi %mul3A_18, %add3A_1321 : i32
      %mul3A_1323 = arith.constant 128 : i32
      %mul3A_1324 = arith.muli %add3A_1322, %mul3A_1323 : i32
      %dma_start3A_1325 = arith.constant 0 : i32
      %dma_start3A_1326 = arith.constant 0 : i32
      %dma_start3A_1327 = arith.constant 0 : i32
      %dma_start3A_1328 = arith.constant 0 : i32
      %dma_start3A_1329 = tpu.memref_slice %arg19[%dma_start3A_1325, %dma_start3A_1327, %dma_start3A_1328] : memref<2x128x128xf32, #tpu.memory_space<vmem>> -> memref<1x128x128xf32, #tpu.memory_space<vmem>>
      %dma_start3A_1330 = tpu.memref_squeeze %dma_start3A_1329 : memref<1x128x128xf32, #tpu.memory_space<vmem>> -> memref<128x128xf32, #tpu.memory_space<vmem>>
      %dma_start3A_1331 = arith.constant 0 : i32
      %dma_start3A_1332 = tpu.memref_slice %arg8[%mul3A_1324, %dma_start3A_1331] : memref<262144x128xf32, #tpu.memory_space<hbm>> -> memref<128x128xf32, #tpu.memory_space<hbm>>
      %dma_start3A_1333 = tpu.memref_slice %arg25[%dma_start3A_1326] : memref<2x!tpu.dma_semaphore, #tpu.memory_space<semaphore_mem>> -> memref<1x!tpu.dma_semaphore, #tpu.memory_space<semaphore_mem>>
      %dma_start3A_1334 = tpu.memref_squeeze %dma_start3A_1333 : memref<1x!tpu.dma_semaphore, #tpu.memory_space<semaphore_mem>> -> memref<!tpu.dma_semaphore, #tpu.memory_space<semaphore_mem>>
      %dma_start3A_1335 = arith.constant 0 : i32
      %dma_start3A_1336 = tpu.memref_slice %arg8[%mul3A_1324, %dma_start3A_1335] : memref<262144x128xf32, #tpu.memory_space<hbm>> -> memref<128x128xf32, #tpu.memory_space<hbm>>
      %dma_start3A_1337 = arith.constant 0 : i32
      %dma_start3A_1338 = arith.constant 0 : i32
      %dma_start3A_1339 = tpu.memref_slice %arg19[%dma_start3A_1325, %dma_start3A_1337, %dma_start3A_1338] : memref<2x128x128xf32, #tpu.memory_space<vmem>> -> memref<1x128x128xf32, #tpu.memory_space<vmem>>
      %dma_start3A_1340 = tpu.memref_squeeze %dma_start3A_1339 : memref<1x128x128xf32, #tpu.memory_space<vmem>> -> memref<128x128xf32, #tpu.memory_space<vmem>>
      tpu.enqueue_dma source(%dma_start3A_1340 : memref<128x128xf32, #tpu.memory_space<vmem>>) target(%dma_start3A_1336 : memref<128x128xf32, #tpu.memory_space<hbm>>) target_semaphore(%dma_start3A_1334 : memref<!tpu.dma_semaphore, #tpu.memory_space<semaphore_mem>>)
      %dma_start3A_1341 = arith.constant 0 : i32
      %dma_start3A_1342 = arith.constant 0 : i32
      %dma_start3A_1343 = arith.constant 0 : i32
      %dma_start3A_1344 = arith.constant 0 : i32
      %dma_start3A_1345 = tpu.memref_slice %arg20[%dma_start3A_1341, %dma_start3A_1343, %dma_start3A_1344] : memref<2x128x128xf32, #tpu.memory_space<vmem>> -> memref<1x128x128xf32, #tpu.memory_space<vmem>>
      %dma_start3A_1346 = tpu.memref_squeeze %dma_start3A_1345 : memref<1x128x128xf32, #tpu.memory_space<vmem>> -> memref<128x128xf32, #tpu.memory_space<vmem>>
      %dma_start3A_1347 = arith.constant 0 : i32
      %dma_start3A_1348 = tpu.memref_slice %arg9[%mul3A_1324, %dma_start3A_1347] : memref<262144x128xf32, #tpu.memory_space<hbm>> -> memref<128x128xf32, #tpu.memory_space<hbm>>
      %dma_start3A_1349 = tpu.memref_slice %arg26[%dma_start3A_1342] : memref<2x!tpu.dma_semaphore, #tpu.memory_space<semaphore_mem>> -> memref<1x!tpu.dma_semaphore, #tpu.memory_space<semaphore_mem>>
      %dma_start3A_1350 = tpu.memref_squeeze %dma_start3A_1349 : memref<1x!tpu.dma_semaphore, #tpu.memory_space<semaphore_mem>> -> memref<!tpu.dma_semaphore, #tpu.memory_space<semaphore_mem>>
      %dma_start3A_1351 = arith.constant 0 : i32
      %dma_start3A_1352 = tpu.memref_slice %arg9[%mul3A_1324, %dma_start3A_1351] : memref<262144x128xf32, #tpu.memory_space<hbm>> -> memref<128x128xf32, #tpu.memory_space<hbm>>
      %dma_start3A_1353 = arith.constant 0 : i32
      %dma_start3A_1354 = arith.constant 0 : i32
      %dma_start3A_1355 = tpu.memref_slice %arg20[%dma_start3A_1341, %dma_start3A_1353, %dma_start3A_1354] : memref<2x128x128xf32, #tpu.memory_space<vmem>> -> memref<1x128x128xf32, #tpu.memory_space<vmem>>
      %dma_start3A_1356 = tpu.memref_squeeze %dma_start3A_1355 : memref<1x128x128xf32, #tpu.memory_space<vmem>> -> memref<128x128xf32, #tpu.memory_space<vmem>>
      tpu.enqueue_dma source(%dma_start3A_1356 : memref<128x128xf32, #tpu.memory_space<vmem>>) target(%dma_start3A_1352 : memref<128x128xf32, #tpu.memory_space<hbm>>) target_semaphore(%dma_start3A_1350 : memref<!tpu.dma_semaphore, #tpu.memory_space<semaphore_mem>>)
      %dma_wait3A_1357 = arith.constant 1 : i32
      %dma_wait3A_1358 = arith.constant 1 : i32
      %dma_wait3A_1359 = arith.constant 1 : i32
      %dma_wait3A_1360 = arith.constant 0 : i32
      %dma_wait3A_1361 = arith.constant 0 : i32
      %dma_wait3A_1362 = tpu.memref_slice %arg19[%dma_wait3A_1358, %dma_wait3A_1360, %dma_wait3A_1361] : memref<2x128x128xf32, #tpu.memory_space<vmem>> -> memref<1x128x128xf32, #tpu.memory_space<vmem>>
      %dma_wait3A_1363 = tpu.memref_squeeze %dma_wait3A_1362 : memref<1x128x128xf32, #tpu.memory_space<vmem>> -> memref<128x128xf32, #tpu.memory_space<vmem>>
      %dma_wait3A_1364 = arith.constant 0 : i32
      %dma_wait3A_1365 = tpu.memref_slice %arg17[%dma_wait3A_1357, %dma_wait3A_1364] : memref<2x128xi32, #tpu.memory_space<vmem>> -> memref<1x128xi32, #tpu.memory_space<vmem>>
      %dma_wait3A_1366 = tpu.memref_squeeze %dma_wait3A_1365 : memref<1x128xi32, #tpu.memory_space<vmem>> -> memref<128xi32, #tpu.memory_space<vmem>>
      %dma_wait3A_1367 = arith.constant 0 : i32
      %dma_wait3A_1368 = arith.constant 0 : i32
      %dma_wait3A_1369 = tpu.memref_slice %arg21[%dma_wait3A_1367, %dma_wait3A_1368] : memref<289x128xf32, #tpu.memory_space<vmem_shared>> -> memref<289x128xf32, #tpu.memory_space<vmem_shared>>
      %dma_wait3A_1370 = tpu.memref_slice %arg23[%dma_wait3A_1359] : memref<2x!tpu.dma_semaphore, #tpu.memory_space<semaphore_mem>> -> memref<1x!tpu.dma_semaphore, #tpu.memory_space<semaphore_mem>>
      %dma_wait3A_1371 = tpu.memref_squeeze %dma_wait3A_1370 : memref<1x!tpu.dma_semaphore, #tpu.memory_space<semaphore_mem>> -> memref<!tpu.dma_semaphore, #tpu.memory_space<semaphore_mem>>
      tpu.wait_indirect_dma semaphore(%dma_wait3A_1371 : memref<!tpu.dma_semaphore, #tpu.memory_space<semaphore_mem>>) src(%dma_wait3A_1369 : memref<289x128xf32, #tpu.memory_space<vmem_shared>>) dst(%dma_wait3A_1363 : memref<128x128xf32, #tpu.memory_space<vmem>>)
      %dma_wait3A_1372 = arith.constant 1 : i32
      %dma_wait3A_1373 = arith.constant 1 : i32
      %dma_wait3A_1374 = arith.constant 1 : i32
      %dma_wait3A_1375 = arith.constant 0 : i32
      %dma_wait3A_1376 = arith.constant 0 : i32
      %dma_wait3A_1377 = tpu.memref_slice %arg20[%dma_wait3A_1373, %dma_wait3A_1375, %dma_wait3A_1376] : memref<2x128x128xf32, #tpu.memory_space<vmem>> -> memref<1x128x128xf32, #tpu.memory_space<vmem>>
      %dma_wait3A_1378 = tpu.memref_squeeze %dma_wait3A_1377 : memref<1x128x128xf32, #tpu.memory_space<vmem>> -> memref<128x128xf32, #tpu.memory_space<vmem>>
      %dma_wait3A_1379 = arith.constant 0 : i32
      %dma_wait3A_1380 = tpu.memref_slice %arg18[%dma_wait3A_1372, %dma_wait3A_1379] : memref<2x128xi32, #tpu.memory_space<vmem>> -> memref<1x128xi32, #tpu.memory_space<vmem>>
      %dma_wait3A_1381 = tpu.memref_squeeze %dma_wait3A_1380 : memref<1x128xi32, #tpu.memory_space<vmem>> -> memref<128xi32, #tpu.memory_space<vmem>>
      %dma_wait3A_1382 = arith.constant 0 : i32
      %dma_wait3A_1383 = arith.constant 0 : i32
      %dma_wait3A_1384 = tpu.memref_slice %arg22[%dma_wait3A_1382, %dma_wait3A_1383] : memref<1156x128xf32, #tpu.memory_space<vmem_shared>> -> memref<1156x128xf32, #tpu.memory_space<vmem_shared>>
      %dma_wait3A_1385 = tpu.memref_slice %arg24[%dma_wait3A_1374] : memref<2x!tpu.dma_semaphore, #tpu.memory_space<semaphore_mem>> -> memref<1x!tpu.dma_semaphore, #tpu.memory_space<semaphore_mem>>
      %dma_wait3A_1386 = tpu.memref_squeeze %dma_wait3A_1385 : memref<1x!tpu.dma_semaphore, #tpu.memory_space<semaphore_mem>> -> memref<!tpu.dma_semaphore, #tpu.memory_space<semaphore_mem>>
      tpu.wait_indirect_dma semaphore(%dma_wait3A_1386 : memref<!tpu.dma_semaphore, #tpu.memory_space<semaphore_mem>>) src(%dma_wait3A_1384 : memref<1156x128xf32, #tpu.memory_space<vmem_shared>>) dst(%dma_wait3A_1378 : memref<128x128xf32, #tpu.memory_space<vmem>>)
      %mul3A_1387 = arith.constant 2 : i32
      %mul3A_1388 = arith.muli %scan3A_279, %mul3A_1387 : i32
      %add3A_1389 = arith.constant 1 : i32
      %add3A_1390 = arith.addi %mul3A_1388, %add3A_1389 : i32
      %add3A_1391 = arith.addi %mul3A_18, %add3A_1390 : i32
      %mul3A_1392 = arith.constant 128 : i32
      %mul3A_1393 = arith.muli %add3A_1391, %mul3A_1392 : i32
      %dma_start3A_1394 = arith.constant 1 : i32
      %dma_start3A_1395 = arith.constant 1 : i32
      %dma_start3A_1396 = arith.constant 0 : i32
      %dma_start3A_1397 = arith.constant 0 : i32
      %dma_start3A_1398 = tpu.memref_slice %arg19[%dma_start3A_1394, %dma_start3A_1396, %dma_start3A_1397] : memref<2x128x128xf32, #tpu.memory_space<vmem>> -> memref<1x128x128xf32, #tpu.memory_space<vmem>>
      %dma_start3A_1399 = tpu.memref_squeeze %dma_start3A_1398 : memref<1x128x128xf32, #tpu.memory_space<vmem>> -> memref<128x128xf32, #tpu.memory_space<vmem>>
      %dma_start3A_1400 = arith.constant 0 : i32
      %dma_start3A_1401 = tpu.memref_slice %arg8[%mul3A_1393, %dma_start3A_1400] : memref<262144x128xf32, #tpu.memory_space<hbm>> -> memref<128x128xf32, #tpu.memory_space<hbm>>
      %dma_start3A_1402 = tpu.memref_slice %arg25[%dma_start3A_1395] : memref<2x!tpu.dma_semaphore, #tpu.memory_space<semaphore_mem>> -> memref<1x!tpu.dma_semaphore, #tpu.memory_space<semaphore_mem>>
      %dma_start3A_1403 = tpu.memref_squeeze %dma_start3A_1402 : memref<1x!tpu.dma_semaphore, #tpu.memory_space<semaphore_mem>> -> memref<!tpu.dma_semaphore, #tpu.memory_space<semaphore_mem>>
      %dma_start3A_1404 = arith.constant 0 : i32
      %dma_start3A_1405 = tpu.memref_slice %arg8[%mul3A_1393, %dma_start3A_1404] : memref<262144x128xf32, #tpu.memory_space<hbm>> -> memref<128x128xf32, #tpu.memory_space<hbm>>
      %dma_start3A_1406 = arith.constant 0 : i32
      %dma_start3A_1407 = arith.constant 0 : i32
      %dma_start3A_1408 = tpu.memref_slice %arg19[%dma_start3A_1394, %dma_start3A_1406, %dma_start3A_1407] : memref<2x128x128xf32, #tpu.memory_space<vmem>> -> memref<1x128x128xf32, #tpu.memory_space<vmem>>
      %dma_start3A_1409 = tpu.memref_squeeze %dma_start3A_1408 : memref<1x128x128xf32, #tpu.memory_space<vmem>> -> memref<128x128xf32, #tpu.memory_space<vmem>>
      tpu.enqueue_dma source(%dma_start3A_1409 : memref<128x128xf32, #tpu.memory_space<vmem>>) target(%dma_start3A_1405 : memref<128x128xf32, #tpu.memory_space<hbm>>) target_semaphore(%dma_start3A_1403 : memref<!tpu.dma_semaphore, #tpu.memory_space<semaphore_mem>>)
      %dma_start3A_1410 = arith.constant 1 : i32
      %dma_start3A_1411 = arith.constant 1 : i32
      %dma_start3A_1412 = arith.constant 0 : i32
      %dma_start3A_1413 = arith.constant 0 : i32
      %dma_start3A_1414 = tpu.memref_slice %arg20[%dma_start3A_1410, %dma_start3A_1412, %dma_start3A_1413] : memref<2x128x128xf32, #tpu.memory_space<vmem>> -> memref<1x128x128xf32, #tpu.memory_space<vmem>>
      %dma_start3A_1415 = tpu.memref_squeeze %dma_start3A_1414 : memref<1x128x128xf32, #tpu.memory_space<vmem>> -> memref<128x128xf32, #tpu.memory_space<vmem>>
      %dma_start3A_1416 = arith.constant 0 : i32
      %dma_start3A_1417 = tpu.memref_slice %arg9[%mul3A_1393, %dma_start3A_1416] : memref<262144x128xf32, #tpu.memory_space<hbm>> -> memref<128x128xf32, #tpu.memory_space<hbm>>
      %dma_start3A_1418 = tpu.memref_slice %arg26[%dma_start3A_1411] : memref<2x!tpu.dma_semaphore, #tpu.memory_space<semaphore_mem>> -> memref<1x!tpu.dma_semaphore, #tpu.memory_space<semaphore_mem>>
      %dma_start3A_1419 = tpu.memref_squeeze %dma_start3A_1418 : memref<1x!tpu.dma_semaphore, #tpu.memory_space<semaphore_mem>> -> memref<!tpu.dma_semaphore, #tpu.memory_space<semaphore_mem>>
      %dma_start3A_1420 = arith.constant 0 : i32
      %dma_start3A_1421 = tpu.memref_slice %arg9[%mul3A_1393, %dma_start3A_1420] : memref<262144x128xf32, #tpu.memory_space<hbm>> -> memref<128x128xf32, #tpu.memory_space<hbm>>
      %dma_start3A_1422 = arith.constant 0 : i32
      %dma_start3A_1423 = arith.constant 0 : i32
      %dma_start3A_1424 = tpu.memref_slice %arg20[%dma_start3A_1410, %dma_start3A_1422, %dma_start3A_1423] : memref<2x128x128xf32, #tpu.memory_space<vmem>> -> memref<1x128x128xf32, #tpu.memory_space<vmem>>
      %dma_start3A_1425 = tpu.memref_squeeze %dma_start3A_1424 : memref<1x128x128xf32, #tpu.memory_space<vmem>> -> memref<128x128xf32, #tpu.memory_space<vmem>>
      tpu.enqueue_dma source(%dma_start3A_1425 : memref<128x128xf32, #tpu.memory_space<vmem>>) target(%dma_start3A_1421 : memref<128x128xf32, #tpu.memory_space<hbm>>) target_semaphore(%dma_start3A_1419 : memref<!tpu.dma_semaphore, #tpu.memory_space<semaphore_mem>>)
    }
    %scan3A_207 = arith.constant 32 : i32
    %add3A_208 = arith.constant 62 : i32
    %add3A_209 = arith.addi %mul3A_18, %add3A_208 : i32
    %mul3A_210 = arith.constant 128 : i32
    %mul3A_211 = arith.muli %add3A_209, %mul3A_210 : i32
    %dma_wait3A = arith.constant 0 : i32
    %dma_wait3A_212 = arith.constant 0 : i32
    %dma_wait3A_213 = arith.constant 0 : i32
    %dma_wait3A_214 = arith.constant 0 : i32
    %dma_wait3A_215 = tpu.memref_slice %arg19[%dma_wait3A, %dma_wait3A_213, %dma_wait3A_214] : memref<2x128x128xf32, #tpu.memory_space<vmem>> -> memref<1x128x128xf32, #tpu.memory_space<vmem>>
    %dma_wait3A_216 = tpu.memref_squeeze %dma_wait3A_215 : memref<1x128x128xf32, #tpu.memory_space<vmem>> -> memref<128x128xf32, #tpu.memory_space<vmem>>
    %dma_wait3A_217 = arith.constant 0 : i32
    %dma_wait3A_218 = tpu.memref_slice %arg8[%mul3A_211, %dma_wait3A_217] : memref<262144x128xf32, #tpu.memory_space<hbm>> -> memref<128x128xf32, #tpu.memory_space<hbm>>
    %dma_wait3A_219 = tpu.memref_slice %arg25[%dma_wait3A_212] : memref<2x!tpu.dma_semaphore, #tpu.memory_space<semaphore_mem>> -> memref<1x!tpu.dma_semaphore, #tpu.memory_space<semaphore_mem>>
    %dma_wait3A_220 = tpu.memref_squeeze %dma_wait3A_219 : memref<1x!tpu.dma_semaphore, #tpu.memory_space<semaphore_mem>> -> memref<!tpu.dma_semaphore, #tpu.memory_space<semaphore_mem>>
    %dma_wait3A_221 = arith.constant 0 : i32
    %dma_wait3A_222 = tpu.memref_slice %arg8[%mul3A_211, %dma_wait3A_221] : memref<262144x128xf32, #tpu.memory_space<hbm>> -> memref<128x128xf32, #tpu.memory_space<hbm>>
    %dma_wait3A_223 = arith.constant 0 : i32
    %dma_wait3A_224 = arith.constant 0 : i32
    %dma_wait3A_225 = tpu.memref_slice %arg19[%dma_wait3A, %dma_wait3A_223, %dma_wait3A_224] : memref<2x128x128xf32, #tpu.memory_space<vmem>> -> memref<1x128x128xf32, #tpu.memory_space<vmem>>
    %dma_wait3A_226 = tpu.memref_squeeze %dma_wait3A_225 : memref<1x128x128xf32, #tpu.memory_space<vmem>> -> memref<128x128xf32, #tpu.memory_space<vmem>>
    tpu.wait_dma2 semaphore(%dma_wait3A_220 : memref<!tpu.dma_semaphore, #tpu.memory_space<semaphore_mem>>) src(%dma_wait3A_226 : memref<128x128xf32, #tpu.memory_space<vmem>>) dst(%dma_wait3A_222 : memref<128x128xf32, #tpu.memory_space<hbm>>)
    %dma_wait3A_227 = arith.constant 0 : i32
    %dma_wait3A_228 = arith.constant 0 : i32
    %dma_wait3A_229 = arith.constant 0 : i32
    %dma_wait3A_230 = arith.constant 0 : i32
    %dma_wait3A_231 = tpu.memref_slice %arg20[%dma_wait3A_227, %dma_wait3A_229, %dma_wait3A_230] : memref<2x128x128xf32, #tpu.memory_space<vmem>> -> memref<1x128x128xf32, #tpu.memory_space<vmem>>
    %dma_wait3A_232 = tpu.memref_squeeze %dma_wait3A_231 : memref<1x128x128xf32, #tpu.memory_space<vmem>> -> memref<128x128xf32, #tpu.memory_space<vmem>>
    %dma_wait3A_233 = arith.constant 0 : i32
    %dma_wait3A_234 = tpu.memref_slice %arg9[%mul3A_211, %dma_wait3A_233] : memref<262144x128xf32, #tpu.memory_space<hbm>> -> memref<128x128xf32, #tpu.memory_space<hbm>>
    %dma_wait3A_235 = tpu.memref_slice %arg26[%dma_wait3A_228] : memref<2x!tpu.dma_semaphore, #tpu.memory_space<semaphore_mem>> -> memref<1x!tpu.dma_semaphore, #tpu.memory_space<semaphore_mem>>
    %dma_wait3A_236 = tpu.memref_squeeze %dma_wait3A_235 : memref<1x!tpu.dma_semaphore, #tpu.memory_space<semaphore_mem>> -> memref<!tpu.dma_semaphore, #tpu.memory_space<semaphore_mem>>
    %dma_wait3A_237 = arith.constant 0 : i32
    %dma_wait3A_238 = tpu.memref_slice %arg9[%mul3A_211, %dma_wait3A_237] : memref<262144x128xf32, #tpu.memory_space<hbm>> -> memref<128x128xf32, #tpu.memory_space<hbm>>
    %dma_wait3A_239 = arith.constant 0 : i32
    %dma_wait3A_240 = arith.constant 0 : i32
    %dma_wait3A_241 = tpu.memref_slice %arg20[%dma_wait3A_227, %dma_wait3A_239, %dma_wait3A_240] : memref<2x128x128xf32, #tpu.memory_space<vmem>> -> memref<1x128x128xf32, #tpu.memory_space<vmem>>
    %dma_wait3A_242 = tpu.memref_squeeze %dma_wait3A_241 : memref<1x128x128xf32, #tpu.memory_space<vmem>> -> memref<128x128xf32, #tpu.memory_space<vmem>>
    tpu.wait_dma2 semaphore(%dma_wait3A_236 : memref<!tpu.dma_semaphore, #tpu.memory_space<semaphore_mem>>) src(%dma_wait3A_242 : memref<128x128xf32, #tpu.memory_space<vmem>>) dst(%dma_wait3A_238 : memref<128x128xf32, #tpu.memory_space<hbm>>)
    %add3A_243 = arith.constant 63 : i32
    %add3A_244 = arith.addi %mul3A_18, %add3A_243 : i32
    %mul3A_245 = arith.constant 128 : i32
    %mul3A_246 = arith.muli %add3A_244, %mul3A_245 : i32
    %dma_wait3A_247 = arith.constant 1 : i32
    %dma_wait3A_248 = arith.constant 1 : i32
    %dma_wait3A_249 = arith.constant 0 : i32
    %dma_wait3A_250 = arith.constant 0 : i32
    %dma_wait3A_251 = tpu.memref_slice %arg19[%dma_wait3A_247, %dma_wait3A_249, %dma_wait3A_250] : memref<2x128x128xf32, #tpu.memory_space<vmem>> -> memref<1x128x128xf32, #tpu.memory_space<vmem>>
    %dma_wait3A_252 = tpu.memref_squeeze %dma_wait3A_251 : memref<1x128x128xf32, #tpu.memory_space<vmem>> -> memref<128x128xf32, #tpu.memory_space<vmem>>
    %dma_wait3A_253 = arith.constant 0 : i32
    %dma_wait3A_254 = tpu.memref_slice %arg8[%mul3A_246, %dma_wait3A_253] : memref<262144x128xf32, #tpu.memory_space<hbm>> -> memref<128x128xf32, #tpu.memory_space<hbm>>
    %dma_wait3A_255 = tpu.memref_slice %arg25[%dma_wait3A_248] : memref<2x!tpu.dma_semaphore, #tpu.memory_space<semaphore_mem>> -> memref<1x!tpu.dma_semaphore, #tpu.memory_space<semaphore_mem>>
    %dma_wait3A_256 = tpu.memref_squeeze %dma_wait3A_255 : memref<1x!tpu.dma_semaphore, #tpu.memory_space<semaphore_mem>> -> memref<!tpu.dma_semaphore, #tpu.memory_space<semaphore_mem>>
    %dma_wait3A_257 = arith.constant 0 : i32
    %dma_wait3A_258 = tpu.memref_slice %arg8[%mul3A_246, %dma_wait3A_257] : memref<262144x128xf32, #tpu.memory_space<hbm>> -> memref<128x128xf32, #tpu.memory_space<hbm>>
    %dma_wait3A_259 = arith.constant 0 : i32
    %dma_wait3A_260 = arith.constant 0 : i32
    %dma_wait3A_261 = tpu.memref_slice %arg19[%dma_wait3A_247, %dma_wait3A_259, %dma_wait3A_260] : memref<2x128x128xf32, #tpu.memory_space<vmem>> -> memref<1x128x128xf32, #tpu.memory_space<vmem>>
    %dma_wait3A_262 = tpu.memref_squeeze %dma_wait3A_261 : memref<1x128x128xf32, #tpu.memory_space<vmem>> -> memref<128x128xf32, #tpu.memory_space<vmem>>
    tpu.wait_dma2 semaphore(%dma_wait3A_256 : memref<!tpu.dma_semaphore, #tpu.memory_space<semaphore_mem>>) src(%dma_wait3A_262 : memref<128x128xf32, #tpu.memory_space<vmem>>) dst(%dma_wait3A_258 : memref<128x128xf32, #tpu.memory_space<hbm>>)
    %dma_wait3A_263 = arith.constant 1 : i32
    %dma_wait3A_264 = arith.constant 1 : i32
    %dma_wait3A_265 = arith.constant 0 : i32
    %dma_wait3A_266 = arith.constant 0 : i32
    %dma_wait3A_267 = tpu.memref_slice %arg20[%dma_wait3A_263, %dma_wait3A_265, %dma_wait3A_266] : memref<2x128x128xf32, #tpu.memory_space<vmem>> -> memref<1x128x128xf32, #tpu.memory_space<vmem>>
    %dma_wait3A_268 = tpu.memref_squeeze %dma_wait3A_267 : memref<1x128x128xf32, #tpu.memory_space<vmem>> -> memref<128x128xf32, #tpu.memory_space<vmem>>
    %dma_wait3A_269 = arith.constant 0 : i32
    %dma_wait3A_270 = tpu.memref_slice %arg9[%mul3A_246, %dma_wait3A_269] : memref<262144x128xf32, #tpu.memory_space<hbm>> -> memref<128x128xf32, #tpu.memory_space<hbm>>
    %dma_wait3A_271 = tpu.memref_slice %arg26[%dma_wait3A_264] : memref<2x!tpu.dma_semaphore, #tpu.memory_space<semaphore_mem>> -> memref<1x!tpu.dma_semaphore, #tpu.memory_space<semaphore_mem>>
    %dma_wait3A_272 = tpu.memref_squeeze %dma_wait3A_271 : memref<1x!tpu.dma_semaphore, #tpu.memory_space<semaphore_mem>> -> memref<!tpu.dma_semaphore, #tpu.memory_space<semaphore_mem>>
    %dma_wait3A_273 = arith.constant 0 : i32
    %dma_wait3A_274 = tpu.memref_slice %arg9[%mul3A_246, %dma_wait3A_273] : memref<262144x128xf32, #tpu.memory_space<hbm>> -> memref<128x128xf32, #tpu.memory_space<hbm>>
    %dma_wait3A_275 = arith.constant 0 : i32
    %dma_wait3A_276 = arith.constant 0 : i32
    %dma_wait3A_277 = tpu.memref_slice %arg20[%dma_wait3A_263, %dma_wait3A_275, %dma_wait3A_276] : memref<2x128x128xf32, #tpu.memory_space<vmem>> -> memref<1x128x128xf32, #tpu.memory_space<vmem>>
    %dma_wait3A_278 = tpu.memref_squeeze %dma_wait3A_277 : memref<1x128x128xf32, #tpu.memory_space<vmem>> -> memref<128x128xf32, #tpu.memory_space<vmem>>
    tpu.wait_dma2 semaphore(%dma_wait3A_272 : memref<!tpu.dma_semaphore, #tpu.memory_space<semaphore_mem>>) src(%dma_wait3A_278 : memref<128x128xf32, #tpu.memory_space<vmem>>) dst(%dma_wait3A_274 : memref<128x128xf32, #tpu.memory_space<hbm>>)
    return
  }
}

</mosaic_0001>

<sc_bundles>
// kernel: _sc_call.3.cloned.1.call-start
scs
__scs_entry_jumppad:
0x0: {  	(pc) =	sbr.rel $0x88, $3  }
0x1: {  	(tag) =	ssettag $0x0;
	lr =	simm.s32 $0x1  }
0x2: {  	[smem:$0x3F9B] =	sst lr;
	_ =	strace $0xD0000000  }
0x3: {  	_ = 	snop  }
0x4: {  	_ = 	snop  }
0x5: {  	_ = 	snop  }
0x6: {  	_ = 	snop  }
0x7: {  	_ = 	snop  }
__scs_overlays_trampoline_lowered:
0x8: {  	[smem:$0x3FAA] =	sst s0  }
0x9: {  	[smem:$0x3FAB] =	sst s1  }
0xa: {  	[smem:$0x3FAC] =	sst s2  }
0xb: {  	[smem:$0x3FAD] =	sst s3  }
0xc: {  	[smem:$0x3FAE] =	sst s4  }
0xd: {  	[smem:$0x3FAF] =	sst s5  }
0xe: {  	[smem:$0x3FB0] =	sst s6  }
0xf: {  	[smem:$0x3FB1] =	sst s7  }
0x10: {  	[smem:$0x3FB2] =	sst s8  }
0x11: {  	[smem:$0x3FB3] =	sst s9;
	s0 =	simm.s32 @!p0 $0x0  }
0x12: {  	s1 =	sld [smem:$0x3F99];
	s0 =	simm.s32 @p0 $0x1  }
0x13: {  	[smem:$0x3FB4] =	sst s0;
	s0 =	simm.s32 @!p1 $0x0  }
0x14: {  	s2 =	sld [smem:$0x3F98];
	s0 =	simm.s32 @p1 $0x1  }
0x15: {  	[smem:$0x3FB5] =	sst s0;
	s0 =	simm.s32 @!p2 $0x0  }
0x16: {  	s3 =	sld [smem:$0x3FDB];
	s0 =	simm.s32 @p2 $0x1  }
0x17: {  	s4 =	simm.s32 $0x1BF5;
	[smem:$0x3FB7] =	sst s0  }
0x18: {  	s0 =	sld [smem:$0x3F9A];
	_ =	swait.ge [sflag:s4], $0x0  }
0x19: {  	s7 =	sld [smem:$0x3F9B]  }
0x1a: {  	s8 =	sadd.s32 $0xFFFFE003, lr  }
0x1b: {  	s9 =	sadd.s32 $0xFFFFFEF7, lr;
	s5 =	simm.s32 $0xFFFFFFFF;
	p2 =	slt.u32 s8, $0xFFFFF086  }
0x1c: {  	p1 =	slt.u32 s9, $0xF7A;
	s5 =	simm.s32 @!p2 $0x0  }
0x1d: {  	s5 =	simm.s32 @p1 $0x1;
	p0 =	seq.s32 s7, s2  }
0x1e: {  	s7 =	smul.u32 @!p0 $0xF7A, s2;
	p2 =	seq.s32 @!p0 s5, $0x0  }
0x1f: {  	s9 =	smul.u32 $0xF7A, s1;
	s8 =	simm.s32 @!p0 $0x1BF5;
	p2 =	por !p2, p0  }
0x20: {  	[sflag:s8] =	ssyncset.s32 @!p0 $0xFFFFF086;
	s6 =	sadd.s32 @!p0 s3, s7;
	s7 =	simm.s32 @!p0 $0x108  }
0x21: {  	s3 =	sadd.s32 s3, s9;
	s6 =	sadd.s32 @!p0 $0x88, s6;
	s7 =	simm.s32 @p2 $0x1082  }
0x22: {  	[simem:s7], [sflag:s8] =	dma.local @!p0 [hbm:s6], $0xF7A  }
0x23: {  	s9 =	sor.u32 $0xD0000000, s2;
	s6 =	simm.s32 $0x108;
	_ =	swait.ge @!p0 [sflag:s8], $0x0  }
0x24: {  	s3 =	sadd.s32 $0x88, s3;
	s6 =	simm.s32 @!p1 $0x1082;
	[sflag:s4] =	ssyncset.s32 $0xFFFFF086  }
0x25: {  	[simem:s6], [sflag:s4] =	dma.local [hbm:s3], $0xF7A  }
0x26: {  	[smem:$0x3F9B] =	sst s1;
	(tag) =	ssettag s2;
	_ =	strace s9  }
0x27: {  	s1 =	sld [smem:$0x3FAB]  }
0x28: {  	s2 =	sld [smem:$0x3FAC]  }
0x29: {  	s4 =	sld [smem:$0x3FAE]  }
0x2a: {  	p0 =	seq.s32 s5, $0x0;
	s5 =	sld [smem:$0x3FAF]  }
0x2b: {  	s6 =	sld [smem:$0x3FB0]  }
0x2c: {  	s7 =	sld [smem:$0x3FB1]  }
0x2d: {  	s3 =	simm.s32 $0x108;
	s8 =	sld [smem:$0x3FB2]  }
0x2e: {  	s3 =	simm.s32 @!p0 $0x1082;
	s9 =	sld [smem:$0x3FB3]  }
0x2f: {  	lr =	sadd.s32 s0, s3;
	s0 =	sld [smem:$0x3FAA]  }
0x30: {  	s3 =	sld [smem:$0x3FAD]  }
0x31: {  	[smem:$0x3FB6] =	sst s10  }
0x32: {  	s10 =	sld [smem:$0x3FB4];
	_ =	sdelay $0x3  }
0x33: {  	p0 =	seq.s32 s10, $0x1;
	s10 =	sld [smem:$0x3FB6];
	_ =	sdelay $0x3  }
0x34: {  	[smem:$0x3FB6] =	sst s10  }
0x35: {  	s10 =	sld [smem:$0x3FB5];
	_ =	sdelay $0x3  }
0x36: {  	p1 =	seq.s32 s10, $0x1;
	s10 =	sld [smem:$0x3FB6];
	_ =	sdelay $0x3  }
0x37: {  	[smem:$0x3FB6] =	sst s10  }
0x38: {  	s10 =	sld [smem:$0x3FB7]  }
0x39: {  	_ = 	snop;
	(pc) =	sbr.ind lr, $3  }
0x3a: {  	_ = 	snop  }
0x3b: {  	_ = 	snop  }
0x3c: {  	p2 =	seq.s32 s10, $0x1;
	s10 =	sld [smem:$0x3FB6]  }
0x3d: {  	_ =	shalt  }
0x3e: {  	_ =	shalt  }
0x3f: {  	_ =	shalt  }
0x40: {  	_ =	shalt  }
0x41: {  	_ =	shalt  }
0x42: {  	_ =	shalt  }
0x43: {  	_ =	shalt  }
0x44: {  	_ =	shalt  }
0x45: {  	_ =	shalt  }
0x46: {  	_ =	shalt  }
0x47: {  	_ =	shalt  }
0x48: {  	_ =	shalt  }
0x49: {  	_ =	shalt  }
0x4a: {  	_ =	shalt  }
0x4b: {  	_ =	shalt  }
0x4c: {  	_ =	shalt  }
0x4d: {  	_ =	shalt  }
0x4e: {  	_ =	shalt  }
0x4f: {  	_ =	shalt  }
0x50: {  	_ =	shalt  }
0x51: {  	_ =	shalt  }
0x52: {  	_ =	shalt  }
0x53: {  	_ =	shalt  }
0x54: {  	_ =	shalt  }
0x55: {  	_ =	shalt  }
0x56: {  	_ =	shalt  }
0x57: {  	_ =	shalt  }
0x58: {  	_ =	shalt  }
0x59: {  	_ =	shalt  }
0x5a: {  	_ =	shalt  }
0x5b: {  	_ =	shalt  }
0x5c: {  	_ =	shalt  }
0x5d: {  	_ =	shalt  }
0x5e: {  	_ =	shalt  }
0x5f: {  	_ =	shalt  }
0x60: {  	_ =	shalt  }
0x61: {  	_ =	shalt  }
0x62: {  	_ =	shalt  }
0x63: {  	_ =	shalt  }
0x64: {  	_ =	shalt  }
0x65: {  	_ =	shalt  }
0x66: {  	_ =	shalt  }
0x67: {  	_ =	shalt  }
0x68: {  	_ =	shalt  }
0x69: {  	_ =	shalt  }
0x6a: {  	_ =	shalt  }
0x6b: {  	_ =	shalt  }
0x6c: {  	_ =	shalt  }
0x6d: {  	_ =	shalt  }
0x6e: {  	_ =	shalt  }
0x6f: {  	_ =	shalt  }
0x70: {  	_ =	shalt  }
0x71: {  	_ =	shalt  }
0x72: {  	_ =	shalt  }
0x73: {  	_ =	shalt  }
0x74: {  	_ =	shalt  }
0x75: {  	_ =	shalt  }
0x76: {  	_ =	shalt  }
0x77: {  	_ =	shalt  }
0x78: {  	_ =	shalt  }
0x79: {  	_ =	shalt  }
0x7a: {  	_ =	shalt  }
0x7b: {  	_ =	shalt  }
0x7c: {  	_ =	shalt  }
0x7d: {  	_ =	shalt  }
0x7e: {  	_ =	shalt  }
0x7f: {  	_ =	shalt  }
0x80: {  	_ =	shalt  }
0x81: {  	_ =	shalt  }
0x82: {  	_ =	shalt  }
0x83: {  	_ =	shalt  }
0x84: {  	_ =	shalt  }
0x85: {  	_ =	shalt  }
0x86: {  	_ =	shalt  }
0x87: {  	_ =	shalt  }
.Lfunc_end0:
.L_simem_size_0:
called_computation_lowered:
.L_overlay_start_0:
0x88: {  	s2 =	sld [smem:$0x3FD9]  }
0x89: {  	s3 =	sld [smem:$0x3FFE];
	_ =	sdelay $0x1  }
0x8a: {  	s1 =	srdreg.scid  }
0x8b: {  	s0 =	sand.u32 $0x1, s1  }
0x8c: {  	s15 =	sshll.u32 s0, $0xA;
	s2 =	sadd.s32 s3, s2  }
0x8d: {  	s2 =	sadd.s32 s2, s15  }
0x8e: {  	[smem:$0x3FC2] =	sst s2  }
0x8f: {  	_ = 	snop  }
0x90: {  	s2 =	sld [smem:$0x3FC9]  }
0x91: {  	s16 =	sld [smem:$0x3FC8]  }
0x92: {  	s4 =	sld [smem:$0x3FC7]  }
0x93: {  	s5 =	sld [smem:$0x3FD0]  }
0x94: {  	s6 =	sld [smem:$0x3FC6]  }
0x95: {  	s7 =	sld [smem:$0x3FC5]  }
0x96: {  	s9 =	simm.s32 $0xA;
	s10 =	simm.s32 $0x10;
	s8 =	sld [smem:$0x3FC4]  }
0x97: {  	[smem:s10], [sflag:s9] =	dma.local [hbm:s5], $0x1  }
0x98: {  	_ =	swait.eq [sflag:s9], $0x1  }
0x99: {  	[sflag:s9] =	ssyncset.done $0x0  }
0x9a: {  	s17 =	sld [smem:$0x10];
	[sflag:s9] =	ssyncadd.s32 $0xFFFFFFFF  }
0x9b: {  	s18 =	sld [smem:$0x11];
	(tm) =	ssettm $0x1  }
0x9c: {  	s19 =	sld [smem:$0x3FFB];
	_ =	sdelay $0x3  }
0x9d: {  	_ =	strace s19  }
0x9e: {  	s10 =	sld [smem:$0x3FFC];
	_ =	sdelay $0x3  }
0x9f: {  	_ =	strace s10  }
0xa0: {  	s10 =	sld [smem:$0x3FFD];
	_ =	sdelay $0x3  }
0xa1: {  	_ =	strace s10  }
0xa2: {  	_ =	strace $0x8FFFFFFF  }
0xa3: {  	s20 =	sld [smem:$0x3FDB];
	_ =	sdelay $0x1  }
0xa4: {  	s11 =	simm.s32 $_scs_section_size  }
0xa5: {  	s12 =	simm.s32 $_size__tile_overlayer_lowered;
	s13 =	simm.s32 $_tile_overlayer_lowered  }
0xa6: {  	s23 =	simm.s32 $0x1BFF;
	s22 =	sshll.u32 s13, $0x1;
	s10 =	sadd.s32 s11, s20  }
0xa7: {  	s14 =	simm.s32 $0x0;
	s21 =	sshll.u32 s12, $0x1;
	s12 =	sadd.s32 s22, s10  }
0xa8: {  	[timem:s14], [sflag:s23] =	dma.local [hbm:s12], s21  }
0xa9: {  	_ =	swait.ge [sflag:s23], s21  }
0xaa: {  	s11 =	ssub.s32 $0x0, s21;
	[sflag:s23] =	ssyncset.done $0x0  }
0xab: {  	[sflag:s23] =	ssyncadd.s32 s11;
	_ =	sdelay $0x1  }
0xac: {  	s24 =	simm.s32 $0x1B8B  }
0xad: {  	_ =	swait.ge [sflag:s24], $0x1  }
0xae: {  	[sflag:s24] =	ssyncset.done $0x0  }
0xaf: {  	s25 =	simm.s32 $0x1B8E;
	[sflag:s24] =	ssyncadd.s32 $0xFFFFFFFF  }
0xb0: {  	s26 =	simm.s32 $execute0_lowered;
	[smem:$0x3FD2] =	sst s25  }
0xb1: {  	s11 =	sshll.u32 s26, $0x1;
	_ =	strace $0x80000046;
	[dreg:$0x1] =	wrdreg $0xFFFFFFFF  }
0xb2: {  	s28 =	simm.s32 $_size_execute0_lowered;
	s10 =	sadd.s32 s10, s11;
	[dreg:$0x0] =	wrdreg $0x0  }
0xb3: {  	s11 =	sshll.u32 s28, $0x1;
	[dreg:$0x2] =	wrdreg s10  }
0xb4: {  	[dreg:$0x3] =	wrdreg s11  }
0xb5: {  	[dreg:$0x4] =	wrdreg $0xC0  }
0xb6: {  	_ =	task [dreg:s14], $0x5FFFF  }
0xb7: {  	[dreg:$0x1] =	wrdreg $0xFFFFFFFF  }
0xb8: {  	[dreg:$0x0] =	wrdreg $0x60  }
0xb9: {  	[dreg:$0x2] =	wrdreg s2  }
0xba: {  	[dreg:$0x3] =	wrdreg s16  }
0xbb: {  	[dreg:$0x4] =	wrdreg s4  }
0xbc: {  	[dreg:$0x5] =	wrdreg s6  }
0xbd: {  	[dreg:$0x6] =	wrdreg s7  }
0xbe: {  	[dreg:$0x7] =	wrdreg s8  }
0xbf: {  	[dreg:$0x8] =	wrdreg s17  }
0xc0: {  	[dreg:$0x9] =	wrdreg s18  }
0xc1: {  	[dreg:$0xa] =	wrdreg $0x154000  }
0xc2: {  	[dreg:$0xb] =	wrdreg $0x15D080  }
0xc3: {  	[dreg:$0xc] =	wrdreg $0x9  }
0xc4: {  	_ =	task.clear_ibuf [dreg:s14], $0xDFFFF;
	_ =	strace $0x90000046  }
0xc5: {  	s29 =	simm.s32 $0x9;
	_ =	strace $0x80000048  }
0xc6: {  	_ =	swait.ge [sflag:s29], $0x1  }
0xc7: {  	[sflag:s29] =	ssyncadd.s32 $0xFFFFFFFF  }
0xc8: {  	_ =	strace $0x90000048  }
0xc9: {  	_ =	sfence  }
0xca: {  	s30 =	sld [smem:$0x0];
	_ =	sdelay $0x2  }
0xcb: {  	s31 =	sshll.u32 s1, $0xD;
	s1 =	sshrl.u32 s1, $0x2  }
0xcc: {  	s3 =	sand.u32 $0x4000, s31;
	s1 =	sadd.s32 s1, s30  }
0xcd: {  	s0 =	sor.u32 s3, s0;
	s1 =	sshll.u32 s1, $0x11  }
0xce: {  	s0 =	sor.u32 s1, s0  }
0xcf: {  	s0 =	sadd.s32 $0x8F2B, s0  }
0xd0: {  	[sflag:s0] =	ssyncadd.remote.s32 $0x1  }
0xd1: {  	_ =	sfence.sel $0xFFFF  }
0xd2: {  	[dreg:$0x0] =	wrdreg $0xFFFFFFFF;
	(pc) =	sbr.abs _section_cstart, $3  }
0xd3: {  	[dreg:$0x1] =	wrdreg $0xFFFFFFFF  }
0xd4: {  	_ =	task.clear_ibuf [dreg:s14], $0x2FFFF;
	_ =	strace $0x9FFFFFFF  }
0xd5: {  	(tm) =	ssettm $0x7FFFFFFF  }
tec
execute0_lowered:
.L_overlay_start_1:
0x0: {  	(tag) =	ssettag $0x1  }
0x1: {  	s0 =	rddreg [dreg:$0x2]  }
0x2: {  	s1 =	rddreg [dreg:$0x6]  }
0x3: {  	s2 =	rddreg [dreg:$0x7]  }
0x4: {  	s5 =	rddreg [dreg:$0x8];
	s3 =	srdreg.scid  }
0x5: {  	s4 =	stileid.u32;
	s7 =	rddreg [dreg:$0x9];
	s8 =	simm.s32 $0x0  }
0x6: {  	s10 =	simm.s32 $0x1;
	s17 =	simm.s32 $0x9;
	s18 =	simm.s32 $0x4000  }
0x7: {  	s19 =	simm.s32 $0x4800;
	s21 =	simm.s32 $0x5080;
	s22 =	simm.s32 $0x5100  }
0x8: {  	s28 =	simm.s32 $0xD400;
	s29 =	simm.s32 $0x5280;
	s30 =	simm.s32 $0x9400  }
0x9: {  	s31 =	simm.s32 $0x5380;
	s20 =	simm.s32 $0x6;
	s3 =	sand.u32 $0x1, s3  }
0xa: {  	s6 =	sshll.u32 s4, $0x1;
	[smem:$0x7FF] =	sst s8;
	s24 =	sshll.u32 s4, $0x12  }
0xb: {  	s6 =	sor.u32 s3, s6;
	p1 =	seq.s32 s3, $0x1;
	_ =	strace $0x80000047  }
0xc: {  	s23 =	ssub.s32 $0x2, s3;
	s11 =	sshll.u32 s3, $0x6;
	s12 =	sadd.s32 s24, s2  }
0xd: {  	s3 =	sshll.u32 s3, $0x11;
	s13 =	sadd.s32 s24, s1;
	p0 =	seq.s32 s6, $0x0  }
0xe: {  	s9 =	sshrl.u32 s23, $0x1;
	[dreg:$0xd] =	wrdreg s11;
	s12 =	sadd.s32 s3, s12  }
0xf: {  	s25 =	sadd.s32 s3, s13;
	s26 =	sor.u32 s3, s24;
	s24 =	simm.s32 $0x5200  }
0x10: {  	s11 =	simm.s32 $0x0;
	p0 =	por !p0, !p1;
	s6 =	ssub.s32 s23, s9  }
0x11: {  	s9 =	simm.s32 $0x1;
	[dreg:$0xb] =	wrdreg s12;
	p0 =	por !p0, !p0  }
0x12: {  	[dreg:$0xc] =	wrdreg s25;
	s1 =	sadd.s32 s26, s1;
	s10 =	simm.s32 @!p0 $0x0  }
0x13: {  	s23 =	simm.s32 $0x80;
	s25 =	simm.s32 $0x5400;
	s10 =	ssub.s32 s4, s10  }
0x14: {  	s6 =	smax.u32 s6, $0x1;
	s13 =	sadd.s32 $0x800, s1;
	s10 =	sshll.u32 s10, $0x4  }
0x15: {  	s1 =	simm.s32 $0x2;
	[dreg:$0xf] =	wrdreg s6;
	s10 =	sand.u32 $0x1FFFFFF0, s10  }
0x16: {  	p0 =	sne.s32 s4, $0x0;
	s6 =	simm.s32 $0x11400;
	s0 =	sadd.s32 s0, s10  }
0x17: {  	s4 =	simm.s32 $0x7;
	[dreg:$0xe] =	wrdreg s0;
	s0 =	sadd.s32 s26, s2  }
0x18: {  	s10 =	simm.s32 $0x8;
	s14 =	sadd.s32 $0x800, s0;
	s0 =	sshrl.u32 @!p0 s5, $0x3  }
0x19: {  	s26 =	simm.s32 $0x5300;
	[dreg:$0x10] =	wrdreg s0;
	s0 =	sshrl.u32 @!p0 s7, $0x3  }
0x1a: {  	v0 =	vimm.s32 $0x0;
	s2 =	simm.s32 $0x4;
	[dreg:$0x11] =	wrdreg s0;
	s0 =	simm.s32 $0x3  }
.LBB2_1:
0x1b: {  	s3 =	rddreg [dreg:$0x4]  }
0x1c: {  	s12 =	simm.s32 @!p0 $0x1C09;
	s15 =	rddreg [dreg:$0x10]  }
0x1d: {  	[spmem:s15], [sflag:s12] =	dma.local @!p0 [hbm:s3], $0x1210  }
0x1e: {  	s15 =	simm.s32 @!p0 $0x9  }
0x1f: {  	_ =	swait.ge @!p0 [sflag:s15], $0x1210  }
0x20: {  	[sflag:s15] =	ssyncset.done @!p0 $0x0  }
0x21: {  	s16 =	rddreg [dreg:$0x11];
	[sflag:s15] =	ssyncadd.s32 @!p0 $0xFFFFEDF0  }
0x22: {  	s3 =	rddreg [dreg:$0x5]  }
0x23: {  	[spmem:s16], [sflag:s12] =	dma.local @!p0 [hbm:s3], $0x4840  }
0x24: {  	_ =	swait.ge @!p0 [sflag:s15], $0x4840  }
0x25: {  	[sflag:s15] =	ssyncset.done @!p0 $0x0  }
0x26: {  	[sflag:s15] =	ssyncadd.s32 @!p0 $0xFFFFB7C0  }
0x27: {  	s15 =	rddreg [dreg:$0x0]  }
0x28: {  	[tilespmem:s8], [sflag:$0x9] =	stream.linear.gather [hbm4b:s15+s8], $0x4000, $0x38;
	[tilespmem:$0x18128] =	vst v63  }
0x29: {  	_ =	swait.ge [sflag:s17], $0x4000  }
0x2a: {  	[sflag:s17] =	ssyncset.done $0x0  }
0x2b: {  	[sflag:s17] =	ssyncadd.s32 $0xFFFFC000  }
0x2c: {  	s16 =	rddreg [dreg:$0x1]  }
0x2d: {  	[tilespmem:s18], [sflag:$0x9] =	stream.linear.gather [hbm4b:s16+s8], $0x800, $0x38;
	[tilespmem:$0x18128] =	vst v63  }
0x2e: {  	_ =	swait.ge [sflag:s17], $0x800  }
0x2f: {  	[sflag:s17] =	ssyncset.done $0x0  }
0x30: {  	[sflag:s17] =	ssyncadd.s32 $0xFFFFF800  }
0x31: {  	s12 =	rddreg [dreg:$0x3]  }
0x32: {  	[tilespmem:s19], [sflag:$0x9] =	stream.linear.gather [hbm4b:s12+s8], $0x800, $0x38;
	[tilespmem:$0x18128] =	vst v63  }
0x33: {  	_ =	swait.ge [sflag:s17], $0x800  }
0x34: {  	[sflag:s17] =	ssyncset.done $0x0  }
0x35: {  	s16 =	simm.s32 $0x5000;
	s15 =	rddreg [dreg:$0xe];
	[sflag:s17] =	ssyncadd.s32 $0xFFFFF800  }
0x36: {  	[tilespmem:s16], [sflag:$0x9] =	stream.linear.gather [hbm4b:s15+s8], $0x80, $0x38;
	[tilespmem:$0x18128] =	vst v63  }
0x37: {  	_ =	swait.ge [sflag:s17], $0x80  }
0x38: {  	[sflag:s17] =	ssyncset.done $0x0  }
0x39: {  	[sflag:s17] =	ssyncadd.s32 $0xFFFFFF80  }
0x3a: {  	v1 =	vld [tilespmem:$0x5000];
	_ =	sdelay $0x7  }
0x3b: {  	v1 =	vld.idx.msk [tilespmem:v1+s18+$0x0], $0xffff;
	_ =	sdelay $0x4  }
0x3c: {  	v2 =	vshll.u32 v1, $0x3;
	_ =	sdelay $0x1  }
0x3d: {  	v3 =	vor.u32 $0x1, v2  }
0x3e: {  	v4 =	vld [tilespmem:$0x5010]  }
0x3f: {  	v1 =	vld.idx.msk [tilespmem:v1+s19+$0x0], $0xffff  }
0x40: {  	v2 =	vld.idx.msk [tilespmem:v2+s8+$0x0], $0xffff;
	_ =	sdelay $0x1  }
0x41: {  	v3 =	vld.idx.msk [tilespmem:v3+s8+$0x0], $0xffff;
	_ =	sdelay $0x1  }
0x42: {  	v1 =	vmul.u32 $0x121, v1  }
0x43: {  	[tilespmem:$0x5080] =	vst v2  }
0x44: {  	[tilespmem:$0x5180] =	vst v1  }
0x45: {  	[tilespmem:$0x5100] =	vst v3  }
0x46: {  	v1 =	vld.idx.msk [tilespmem:v4+s18+$0x0], $0xffff;
	_ =	sdelay $0x4  }
0x47: {  	v2 =	vshll.u32 v1, $0x3;
	_ =	sdelay $0x1  }
0x48: {  	v3 =	vor.u32 $0x1, v2  }
0x49: {  	v58 =	vld [tilespmem:$0x5020]  }
0x4a: {  	v1 =	vld.idx.msk [tilespmem:v1+s19+$0x0], $0xffff  }
0x4b: {  	v2 =	vld.idx.msk [tilespmem:v2+s8+$0x0], $0xffff;
	_ =	sdelay $0x1  }
0x4c: {  	v3 =	vld.idx.msk [tilespmem:v3+s8+$0x0], $0xffff;
	_ =	sdelay $0x1  }
0x4d: {  	v1 =	vmul.u32 $0x121, v1  }
0x4e: {  	[tilespmem:$0x5090] =	vst v2  }
0x4f: {  	[tilespmem:$0x5190] =	vst v1  }
0x50: {  	[tilespmem:$0x5110] =	vst v3  }
0x51: {  	v1 =	vld.idx.msk [tilespmem:v58+s18+$0x0], $0xffff;
	_ =	sdelay $0x4  }
0x52: {  	v2 =	vshll.u32 v1, $0x3;
	_ =	sdelay $0x1  }
0x53: {  	v3 =	vor.u32 $0x1, v2  }
0x54: {  	v59 =	vld [tilespmem:$0x5030]  }
0x55: {  	v1 =	vld.idx.msk [tilespmem:v1+s19+$0x0], $0xffff  }
0x56: {  	v2 =	vld.idx.msk [tilespmem:v2+s8+$0x0], $0xffff;
	_ =	sdelay $0x1  }
0x57: {  	v3 =	vld.idx.msk [tilespmem:v3+s8+$0x0], $0xffff;
	_ =	sdelay $0x1  }
0x58: {  	v1 =	vmul.u32 $0x121, v1  }
0x59: {  	[tilespmem:$0x50A0] =	vst v2  }
0x5a: {  	[tilespmem:$0x51A0] =	vst v1  }
0x5b: {  	[tilespmem:$0x5120] =	vst v3  }
0x5c: {  	v1 =	vld.idx.msk [tilespmem:v59+s18+$0x0], $0xffff;
	_ =	sdelay $0x4  }
0x5d: {  	v2 =	vshll.u32 v1, $0x3;
	_ =	sdelay $0x1  }
0x5e: {  	v3 =	vor.u32 $0x1, v2  }
0x5f: {  	v60 =	vld [tilespmem:$0x5040]  }
0x60: {  	v1 =	vld.idx.msk [tilespmem:v1+s19+$0x0], $0xffff  }
0x61: {  	v2 =	vld.idx.msk [tilespmem:v2+s8+$0x0], $0xffff;
	_ =	sdelay $0x1  }
0x62: {  	v3 =	vld.idx.msk [tilespmem:v3+s8+$0x0], $0xffff;
	_ =	sdelay $0x1  }
0x63: {  	v1 =	vmul.u32 $0x121, v1  }
0x64: {  	[tilespmem:$0x50B0] =	vst v2  }
0x65: {  	[tilespmem:$0x51B0] =	vst v1  }
0x66: {  	[tilespmem:$0x5130] =	vst v3  }
0x67: {  	v1 =	vld.idx.msk [tilespmem:v60+s18+$0x0], $0xffff;
	_ =	sdelay $0x4  }
0x68: {  	v2 =	vshll.u32 v1, $0x3;
	_ =	sdelay $0x1  }
0x69: {  	v3 =	vor.u32 $0x1, v2  }
0x6a: {  	v61 =	vld [tilespmem:$0x5050]  }
0x6b: {  	v1 =	vld.idx.msk [tilespmem:v1+s19+$0x0], $0xffff  }
0x6c: {  	v2 =	vld.idx.msk [tilespmem:v2+s8+$0x0], $0xffff;
	_ =	sdelay $0x1  }
0x6d: {  	v3 =	vld.idx.msk [tilespmem:v3+s8+$0x0], $0xffff;
	_ =	sdelay $0x1  }
0x6e: {  	v1 =	vmul.u32 $0x121, v1  }
0x6f: {  	[tilespmem:$0x50C0] =	vst v2  }
0x70: {  	[tilespmem:$0x51C0] =	vst v1  }
0x71: {  	[tilespmem:$0x5140] =	vst v3  }
0x72: {  	v1 =	vld.idx.msk [tilespmem:v61+s18+$0x0], $0xffff;
	_ =	sdelay $0x4  }
0x73: {  	v2 =	vshll.u32 v1, $0x3;
	_ =	sdelay $0x1  }
0x74: {  	v3 =	vor.u32 $0x1, v2  }
0x75: {  	v62 =	vld [tilespmem:$0x5060]  }
0x76: {  	v1 =	vld.idx.msk [tilespmem:v1+s19+$0x0], $0xffff  }
0x77: {  	v2 =	vld.idx.msk [tilespmem:v2+s8+$0x0], $0xffff;
	_ =	sdelay $0x1  }
0x78: {  	v3 =	vld.idx.msk [tilespmem:v3+s8+$0x0], $0xffff;
	_ =	sdelay $0x1  }
0x79: {  	v1 =	vmul.u32 $0x121, v1  }
0x7a: {  	[tilespmem:$0x50D0] =	vst v2  }
0x7b: {  	[tilespmem:$0x51D0] =	vst v1  }
0x7c: {  	[tilespmem:$0x5150] =	vst v3  }
0x7d: {  	v1 =	vld.idx.msk [tilespmem:v62+s18+$0x0], $0xffff;
	_ =	sdelay $0x4  }
0x7e: {  	v2 =	vshll.u32 v1, $0x3;
	_ =	sdelay $0x1  }
0x7f: {  	v3 =	vor.u32 $0x1, v2  }
0x80: {  	v63 =	vld [tilespmem:$0x5070]  }
0x81: {  	v1 =	vld.idx.msk [tilespmem:v1+s19+$0x0], $0xffff  }
0x82: {  	v2 =	vld.idx.msk [tilespmem:v2+s8+$0x0], $0xffff;
	_ =	sdelay $0x1  }
0x83: {  	v3 =	vld.idx.msk [tilespmem:v3+s8+$0x0], $0xffff;
	_ =	sdelay $0x1  }
0x84: {  	v1 =	vmul.u32 $0x121, v1  }
0x85: {  	[tilespmem:$0x50E0] =	vst v2  }
0x86: {  	[tilespmem:$0x51E0] =	vst v1  }
0x87: {  	[tilespmem:$0x5160] =	vst v3  }
0x88: {  	v1 =	vld.idx.msk [tilespmem:v63+s18+$0x0], $0xffff;
	_ =	sdelay $0x4  }
0x89: {  	v2 =	vshll.u32 v1, $0x3;
	_ =	sdelay $0x1  }
0x8a: {  	v3 =	vor.u32 $0x1, v2;
	_ =	sdelay $0x1  }
0x8b: {  	v1 =	vld.idx.msk [tilespmem:v1+s19+$0x0], $0xffff  }
0x8c: {  	v2 =	vld.idx.msk [tilespmem:v2+s8+$0x0], $0xffff;
	_ =	sdelay $0x1  }
0x8d: {  	v3 =	vld.idx.msk [tilespmem:v3+s8+$0x0], $0xffff;
	_ =	sdelay $0x1  }
0x8e: {  	v1 =	vmul.u32 $0x121, v1  }
0x8f: {  	[tilespmem:$0x50F0] =	vst v2  }
0x90: {  	[tilespmem:$0x51F0] =	vst v1  }
0x91: {  	[tilespmem:$0x5170] =	vst v3  }
0x92: {  	[bflag:$0x0] =	sbarrier.arrive $0xFFFF  }
0x93: {  	s15 =	simm.s32 $0x0;
	s12 =	rddreg [dreg:$0xd]  }
.LBB2_2:
0x94: {  	p1 =	seq.s32 s15, $0x0;
	v1 =	vmov s12  }
0x95: {  	s16 =	simm.s32 @!p1 $0x5;
	v1 =	vand.u32 $0xFFFFFFFE, v1  }
0x96: {  	_ =	swait.ge @!p1 [sflag:s16], $0x4000;
	v1 =	vbroadcast v1, $0x0  }
0x97: {  	[sflag:s16] =	ssyncset.done @!p1 $0x0  }
0x98: {  	[sflag:s16] =	ssyncadd.s32 @!p1 $0xFFFFC000;
	s16 =	simm.s32 @!p1 $0x7  }
0x99: {  	_ =	swait.ge @!p1 [sflag:s16], $0x4000  }
0x9a: {  	[sflag:s16] =	ssyncset.done @!p1 $0x0  }
0x9b: {  	[sflag:s16] =	ssyncadd.s32 @!p1 $0xFFFFC000  }
0x9c: {  	v2 =	vld.idx.msk [tilespmem:v1+s22+$0x0], $0xffff  }
0x9d: {  	v3 =	vld [tilespmem:$0x5100]  }
0x9e: {  	v1 =	vld.idx.msk [tilespmem:v1+s21+$0x0], $0xffff  }
0x9f: {  	v4 =	vld [tilespmem:$0x5080];
	_ =	sdelay $0x2  }
0xa0: {  	v5 =	vld [tilespmem:$0x5110];
	v3 =	vsub.f32 v3, v2  }
0xa1: {  	v6 =	vld [tilespmem:$0x5090]  }
0xa2: {  	v8 =	vld [tilespmem:$0x5120];
	v4 =	vsub.f32 v4, v1;
	v3 =	vmax.f32 v3, $-8.000000000e+00  }
0xa3: {  	v11 =	vld [tilespmem:$0x5140];
	v3 =	vmin.f32 v3, $8.000000000e+00  }
0xa4: {  	v52 =	vld [tilespmem:$0x50C0];
	v4 =	vmax.f32 v4, $-8.000000000e+00;
	v3 =	vadd.f32 $8.000000000e+00, v3  }
0xa5: {  	v60 =	vld [tilespmem:$0x5150];
	v5 =	vsub.f32 v5, v2;
	v4 =	vmin.f32 v4, $8.000000000e+00  }
0xa6: {  	v4 =	vadd.f32 $8.000000000e+00, v4;
	v3 =	vmul.f32 $1.700000000e+01, v3  }
0xa7: {  	v15 =	vld [tilespmem:$0x50E0];
	v41 =	vsub.f32 v6, v1;
	v8 =	vsub.f32 v8, v2;
	v5 =	vmax.f32 v5, $-8.000000000e+00  }
0xa8: {  	v11 =	vsub.f32 v11, v2;
	v5 =	vmin.f32 v5, $8.000000000e+00;
	v3 =	vadd.f32 v3, v4  }
0xa9: {  	v43 =	vld [tilespmem:$0x50A0];
	v55 =	vsub.f32 v52, v1;
	v5 =	vadd.f32 $8.000000000e+00, v5;
	v4 =	vmax.f32 v41, $-8.000000000e+00  }
0xaa: {  	v21 =	vsub.f32 v60, v2;
	v4 =	vmin.f32 v4, $8.000000000e+00;
	v42 =	vtrunc.f32 v3  }
0xab: {  	v46 =	vld [tilespmem:$0x5130];
	v5 =	vmul.f32 $1.700000000e+01, v5;
	v4 =	vadd.f32 $8.000000000e+00, v4;
	v6 =	vcvt.f32.s32 v42  }
0xac: {  	v32 =	vsub.f32 v15, v1;
	v8 =	vmax.f32 v8, $-8.000000000e+00;
	v56 =	vmax.f32 v11, $-8.000000000e+00  }
0xad: {  	v8 =	vmin.f32 v8, $8.000000000e+00;
	v4 =	vadd.f32 v5, v4;
	v7 =	vcvt.s32.f32 v6  }
0xae: {  	v48 =	vadd.f32 $8.000000000e+00, v8;
	v5 =	vsub.f32 v43, v1;
	v44 =	vand.u32 $0x1, v6  }
0xaf: {  	v9 =	vtrunc.f32 v4;
	vm1 =	veq.s32 v44, $0x1;
	v3 =	vsub.f32 v3, v7  }
0xb0: {  	v47 =	vmax.f32 v5, $-8.000000000e+00;
	v45 =	vcvt.f32.s32 v9;
	v9 =	vsub.f32 v46, v2  }
0xb1: {  	v5 =	vmul.f32 $1.700000000e+01, v48;
	vm0 =	veq.f32 v3, $5.000000000e-01;
	vm2 =	vgt.f32 v3, $5.000000000e-01  }
0xb2: {  	v10 =	vld [tilespmem:$0x50B0];
	v3 =	vcvt.s32.f32 v45;
	v9 =	vmax.f32 v9, $-8.000000000e+00;
	v50 =	vand.u32 $0x1, v45  }
0xb3: {  	vm0 =	vmand vm0, vm1;
	v51 =	vmin.f32 v9, $8.000000000e+00;
	vm8 =	veq.s32 v50, $0x1  }
0xb4: {  	v9 =	vmin.f32 v56, $8.000000000e+00;
	vm0 =	vmor vm2, vm0;
	v3 =	vsub.f32 v4, v3  }
0xb5: {  	v4 =	vmin.f32 v47, $8.000000000e+00;
	v9 =	vadd.f32 $8.000000000e+00, v9;
	v49 =	vsel vm0, $0x1, v0  }
0xb6: {  	v4 =	vadd.f32 $8.000000000e+00, v4;
	vm6 =	vgt.f32 v3, $5.000000000e-01;
	vm7 =	veq.f32 v3, $5.000000000e-01  }
0xb7: {  	v22 =	vld [tilespmem:$0x5180];
	v3 =	vsub.f32 v10, v1;
	v6 =	vadd.s32 v6, v49;
	v9 =	vmul.f32 $1.700000000e+01, v9  }
0xb8: {  	v10 =	vmax.f32 v21, $-8.000000000e+00;
	v4 =	vadd.f32 v5, v4;
	v5 =	vadd.f32 $8.000000000e+00, v51  }
0xb9: {  	vm1 =	vmand vm7, vm8;
	v10 =	vmin.f32 v10, $8.000000000e+00;
	v3 =	vmax.f32 v3, $-8.000000000e+00  }
0xba: {  	v27 =	vld [tilespmem:$0x5160];
	vm0 =	vmor vm6, vm1;
	v10 =	vadd.f32 $8.000000000e+00, v10;
	v3 =	vmin.f32 v3, $8.000000000e+00  }
0xbb: {  	v28 =	vld [tilespmem:$0x5170];
	v53 =	vtrunc.f32 v4;
	v5 =	vmul.f32 $1.700000000e+01, v5;
	v3 =	vadd.f32 $8.000000000e+00, v3  }
0xbc: {  	v31 =	vadd.s32 v22, v6;
	v57 =	vsel vm0, $0x1, v0;
	v54 =	vcvt.f32.s32 v53  }
0xbd: {  	v63 =	vadd.s32 v45, v57;
	v10 =	vmul.f32 $1.700000000e+01, v10;
	v3 =	vadd.f32 v5, v3  }
0xbe: {  	v58 =	vcvt.s32.f32 v54;
	v5 =	vmax.f32 v55, $-8.000000000e+00;
	v13 =	vand.u32 $0x1, v54  }
0xbf: {  	v5 =	vmin.f32 v5, $8.000000000e+00;
	vm10 =	veq.s32 v13, $0x1;
	v13 =	vsub.f32 v27, v2  }
0xc0: {  	v2 =	vsub.f32 v28, v2;
	v12 =	vtrunc.f32 v3;
	v4 =	vsub.f32 v4, v58  }
0xc1: {  	v5 =	vadd.f32 $8.000000000e+00, v5;
	v59 =	vcvt.f32.s32 v12;
	v12 =	vmax.f32 v32, $-8.000000000e+00  }
0xc2: {  	v14 =	vld [tilespmem:$0x50D0];
	v13 =	vmax.f32 v13, $-8.000000000e+00;
	v2 =	vmax.f32 v2, $-8.000000000e+00;
	vm9 =	veq.f32 v4, $5.000000000e-01  }
0xc3: {  	vm11 =	vgt.f32 v4, $5.000000000e-01;
	v62 =	vadd.f32 v9, v5;
	v61 =	vcvt.s32.f32 v59  }
0xc4: {  	v12 =	vmin.f32 v12, $8.000000000e+00;
	v13 =	vmin.f32 v13, $8.000000000e+00;
	v2 =	vmin.f32 v2, $8.000000000e+00  }
0xc5: {  	v24 =	vld [tilespmem:$0x5190];
	vm0 =	vmand vm9, vm10;
	v13 =	vadd.f32 $8.000000000e+00, v13;
	v3 =	vsub.f32 v3, v61  }
0xc6: {  	v25 =	vand.u32 $0x1, v59;
	v12 =	vadd.f32 $8.000000000e+00, v12;
	v2 =	vadd.f32 $8.000000000e+00, v2  }
0xc7: {  	v30 =	vld [tilespmem:$0x50F0];
	vm12 =	vgt.f32 v3, $5.000000000e-01;
	vm13 =	veq.f32 v3, $5.000000000e-01;
	v3 =	vsub.f32 v14, v1  }
0xc8: {  	vm0 =	vmor vm11, vm0;
	v9 =	vtrunc.f32 v62;
	vm14 =	veq.s32 v25, $0x1  }
0xc9: {  	v20 =	vsel vm0, $0x1, v0;
	v23 =	vcvt.f32.s32 v9;
	v3 =	vmax.f32 v3, $-8.000000000e+00  }
0xca: {  	v9 =	vadd.s32 v24, v63;
	v13 =	vmul.f32 $1.700000000e+01, v13;
	v3 =	vmin.f32 v3, $8.000000000e+00  }
0xcb: {  	v2 =	vmul.f32 $1.700000000e+01, v2;
	v7 =	vadd.s32 v54, v20;
	v3 =	vadd.f32 $8.000000000e+00, v3  }
0xcc: {  	v26 =	vcvt.s32.f32 v23;
	v29 =	vand.u32 $0x1, v23;
	v1 =	vsub.f32 v30, v1  }
0xcd: {  	v12 =	vadd.f32 v13, v12;
	vm1 =	vmand vm13, vm14;
	v3 =	vadd.f32 v10, v3  }
0xce: {  	v16 =	vld [tilespmem:$0x51A0];
	vm5 =	veq.s32 v29, $0x1;
	v4 =	vsub.f32 v62, v26;
	v1 =	vmax.f32 v1, $-8.000000000e+00  }
0xcf: {  	vm0 =	vmor vm12, vm1;
	v1 =	vmin.f32 v1, $8.000000000e+00;
	v34 =	vtrunc.f32 v3  }
0xd0: {  	v36 =	vld [tilespmem:$0x51B0];
	vm4 =	veq.f32 v4, $5.000000000e-01;
	v1 =	vadd.f32 $8.000000000e+00, v1;
	v35 =	vcvt.f32.s32 v34  }
0xd1: {  	v17 =	vsel vm0, $0x1, v0;
	vm15 =	vgt.f32 v4, $5.000000000e-01;
	vm0 =	vmand vm4, vm5  }
0xd2: {  	v38 =	vld [tilespmem:$0x51C0];
	v1 =	vadd.f32 v2, v1;
	v2 =	vtrunc.f32 v12;
	v14 =	vcvt.s32.f32 v35  }
0xd3: {  	v33 =	vadd.s32 v16, v7;
	vm0 =	vmor vm15, vm0;
	v2 =	vcvt.f32.s32 v2  }
0xd4: {  	[tilespmem:$0x5200] =	vst v6;
	v11 =	vadd.s32 v59, v17;
	v37 =	vsel vm0, $0x1, v0;
	v3 =	vsub.f32 v3, v14  }
0xd5: {  	[tilespmem:$0x5300] =	vst v31;
	v42 =	vadd.s32 v36, v11;
	v8 =	vadd.s32 v23, v37;
	v41 =	vcvt.s32.f32 v2  }
0xd6: {  	[tilespmem:$0x5210] =	vst v63;
	vm6 =	veq.f32 v3, $5.000000000e-01;
	vm8 =	vgt.f32 v3, $5.000000000e-01;
	v3 =	vtrunc.f32 v1  }
0xd7: {  	[tilespmem:$0x5310] =	vst v9;
	v6 =	vadd.s32 v38, v8;
	v39 =	vand.u32 $0x1, v35;
	v3 =	vcvt.f32.s32 v3  }
0xd8: {  	v40 =	vld [tilespmem:$0x51D0];
	[tilespmem:$0x5220] =	vst v7;
	v45 =	vand.u32 $0x1, v2;
	v5 =	vsub.f32 v12, v41;
	vm7 =	veq.s32 v39, $0x1  }
0xd9: {  	[tilespmem:$0x5320] =	vst v33;
	vm10 =	veq.s32 v45, $0x1;
	vm0 =	vmand vm6, vm7;
	v44 =	vcvt.s32.f32 v3  }
0xda: {  	[tilespmem:$0x5230] =	vst v11;
	vm9 =	veq.f32 v5, $5.000000000e-01;
	vm11 =	vgt.f32 v5, $5.000000000e-01;
	vm0 =	vmor vm8, vm0  }
0xdb: {  	v46 =	vld [tilespmem:$0x51E0];
	[tilespmem:$0x5330] =	vst v42;
	v43 =	vsel vm0, $0x1, v0;
	vm0 =	vmand vm9, vm10;
	v1 =	vsub.f32 v1, v44  }
0xdc: {  	[tilespmem:$0x5240] =	vst v8;
	v47 =	vand.u32 $0x1, v3;
	v4 =	vadd.s32 v35, v43;
	vm0 =	vmor vm11, vm0  }
0xdd: {  	v48 =	vld [tilespmem:$0x51F0];
	[tilespmem:$0x5340] =	vst v6;
	vm13 =	veq.s32 v47, $0x1;
	v10 =	vadd.s32 v40, v4;
	vm12 =	veq.f32 v1, $5.000000000e-01  }
0xde: {  	[tilespmem:$0x5250] =	vst v4;
	v49 =	vsel vm0, $0x1, v0;
	vm14 =	vgt.f32 v1, $5.000000000e-01;
	vm1 =	vmand vm12, vm13  }
0xdf: {  	[tilespmem:$0x5350] =	vst v10;
	v1 =	vadd.s32 v2, v49;
	vm0 =	vmor vm14, vm1  }
0xe0: {  	[tilespmem:$0x5260] =	vst v1;
	v1 =	vadd.s32 v46, v1;
	v2 =	vsel vm0, $0x1, v0  }
0xe1: {  	[tilespmem:$0x5360] =	vst v1;
	v1 =	vadd.s32 v3, v2  }
0xe2: {  	[tilespmem:$0x5270] =	vst v1;
	v1 =	vadd.s32 v48, v1  }
0xe3: {  	[tilespmem:$0x5370] =	vst v1  }
0xe4: {  	[tilespmem:s25], [sflag:$0x1] =	stream.indirect.gather [spmem:s5], $0x80, s24, s23, $0xb8;
	[tilespmem:$0x18128] =	vst v63  }
0xe5: {  	s16 =	simm.s32 @!p1 $0x6  }
0xe6: {  	[tilespmem:s28], [sflag:$0x3] =	stream.indirect.gather [spmem:s7], $0x80, s26, s23, $0xb8;
	[tilespmem:$0x18128] =	vst v63  }
0xe7: {  	s3 =	sadd.s32 $0x1, s12;
	_ =	swait.ge @!p1 [sflag:s16], $0x4000  }
0xe8: {  	v2 =	vmov s3;
	[sflag:s16] =	ssyncset.done @!p1 $0x0  }
0xe9: {  	s3 =	simm.s32 @!p1 $0x8;
	[sflag:s16] =	ssyncadd.s32 @!p1 $0xFFFFC000  }
0xea: {  	_ =	swait.ge @!p1 [sflag:s3], $0x4000  }
0xeb: {  	[sflag:s3] =	ssyncset.done @!p1 $0x0  }
0xec: {  	[sflag:s3] =	ssyncadd.s32 @!p1 $0xFFFFC000  }
0xed: {  	v1 =	vld.idx.msk [tilespmem:v2+s22+$0x0], $0xffff  }
0xee: {  	v3 =	vld [tilespmem:$0x5100]  }
0xef: {  	v2 =	vld.idx.msk [tilespmem:v2+s21+$0x0], $0xffff  }
0xf0: {  	v50 =	vld [tilespmem:$0x5080]  }
0xf1: {  	v51 =	vld [tilespmem:$0x5110]  }
0xf2: {  	v52 =	vld [tilespmem:$0x5090]  }
0xf3: {  	v56 =	vld [tilespmem:$0x5120]  }
0xf4: {  	v57 =	vld [tilespmem:$0x50A0]  }
0xf5: {  	v60 =	vld [tilespmem:$0x5130]  }
0xf6: {  	v14 =	vld [tilespmem:$0x5140]  }
0xf7: {  	v15 =	vld [tilespmem:$0x50C0]  }
0xf8: {  	v25 =	vld [tilespmem:$0x5150]  }
0xf9: {  	v37 =	vld [tilespmem:$0x5160];
	v3 =	vsub.f32 v3, v1;
	v4 =	vsub.f32 v50, v2  }
0xfa: {  	v38 =	vld [tilespmem:$0x50E0];
	v53 =	vsub.f32 v51, v1;
	v6 =	vsub.f32 v52, v2  }
0xfb: {  	v41 =	vld [tilespmem:$0x5170];
	v8 =	vsub.f32 v56, v1;
	v61 =	vsub.f32 v57, v2;
	v3 =	vmax.f32 v3, $-8.000000000e+00  }
0xfc: {  	v63 =	vld [tilespmem:$0x50B0];
	v13 =	vsub.f32 v60, v1;
	v10 =	vsub.f32 v14, v1;
	v3 =	vmin.f32 v3, $8.000000000e+00  }
0xfd: {  	v20 =	vsub.f32 v15, v2;
	v4 =	vmax.f32 v4, $-8.000000000e+00;
	v3 =	vadd.f32 $8.000000000e+00, v3  }
0xfe: {  	v32 =	vsub.f32 v25, v1;
	v42 =	vsub.f32 v37, v1;
	v4 =	vmin.f32 v4, $8.000000000e+00  }
0xff: {  	v44 =	vsub.f32 v38, v2;
	v4 =	vadd.f32 $8.000000000e+00, v4;
	v3 =	vmul.f32 $1.700000000e+01, v3  }
0x100: {  	v1 =	vsub.f32 v41, v1;
	v6 =	vmax.f32 v6, $-8.000000000e+00;
	v62 =	vmax.f32 v8, $-8.000000000e+00  }
0x101: {  	v8 =	vsub.f32 v63, v2;
	v3 =	vadd.f32 v3, v4;
	v4 =	vmax.f32 v53, $-8.000000000e+00  }
0x102: {  	v10 =	vmax.f32 v10, $-8.000000000e+00;
	v36 =	vmax.f32 v32, $-8.000000000e+00;
	v4 =	vmin.f32 v4, $8.000000000e+00  }
0x103: {  	v1 =	vmax.f32 v1, $-8.000000000e+00;
	v54 =	vtrunc.f32 v3;
	v4 =	vadd.f32 $8.000000000e+00, v4  }
0x104: {  	v6 =	vmin.f32 v6, $8.000000000e+00;
	v7 =	vmin.f32 v62, $8.000000000e+00;
	v5 =	vcvt.f32.s32 v54  }
0x105: {  	v22 =	vmin.f32 v10, $8.000000000e+00;
	v6 =	vadd.f32 $8.000000000e+00, v6;
	v4 =	vmul.f32 $1.700000000e+01, v4  }
0x106: {  	v1 =	vmin.f32 v1, $8.000000000e+00;
	v7 =	vadd.f32 $8.000000000e+00, v7;
	v55 =	vcvt.s32.f32 v5  }
0x107: {  	v8 =	vmax.f32 v8, $-8.000000000e+00;
	v1 =	vadd.f32 $8.000000000e+00, v1;
	v4 =	vadd.f32 v4, v6  }
0x108: {  	v8 =	vmin.f32 v8, $8.000000000e+00;
	v6 =	vmax.f32 v61, $-8.000000000e+00;
	v3 =	vsub.f32 v3, v55  }
0x109: {  	v7 =	vmul.f32 $1.700000000e+01, v7;
	v6 =	vmin.f32 v6, $8.000000000e+00;
	v59 =	vtrunc.f32 v4  }
0x10a: {  	vm15 =	vgt.f32 v3, $5.000000000e-01;
	vm4 =	veq.f32 v3, $5.000000000e-01;
	v3 =	vcvt.f32.s32 v59  }
0x10b: {  	v8 =	vadd.f32 $8.000000000e+00, v8;
	v58 =	vand.u32 $0x1, v5;
	v6 =	vadd.f32 $8.000000000e+00, v6  }
0x10c: {  	v1 =	vmul.f32 $1.700000000e+01, v1;
	vm5 =	veq.s32 v58, $0x1;
	v9 =	vcvt.s32.f32 v3  }
0x10d: {  	v31 =	vld [tilespmem:$0x5180];
	vm1 =	vmand vm4, vm5;
	v16 =	vadd.f32 v7, v6;
	v7 =	vmax.f32 v20, $-8.000000000e+00  }
0x10e: {  	vm0 =	vmor vm15, vm1;
	v4 =	vsub.f32 v4, v9;
	v9 =	vmax.f32 v13, $-8.000000000e+00  }
0x10f: {  	v18 =	vand.u32 $0x1, v3;
	v7 =	vmin.f32 v7, $8.000000000e+00;
	v17 =	vmin.f32 v9, $8.000000000e+00  }
0x110: {  	v12 =	vsel vm0, $0x1, v0;
	v19 =	vtrunc.f32 v16;
	v6 =	vadd.f32 $8.000000000e+00, v17  }
0x111: {  	vm8 =	veq.s32 v18, $0x1;
	v5 =	vadd.s32 v5, v12;
	v9 =	vcvt.f32.s32 v19  }
0x112: {  	v7 =	vadd.f32 $8.000000000e+00, v7;
	v43 =	vadd.s32 v31, v5;
	v6 =	vmul.f32 $1.700000000e+01, v6  }
0x113: {  	v28 =	vld [tilespmem:$0x50D0];
	vm6 =	vgt.f32 v4, $5.000000000e-01;
	vm7 =	veq.f32 v4, $5.000000000e-01;
	v21 =	vcvt.s32.f32 v9  }
0x114: {  	v33 =	vld [tilespmem:$0x5190];
	vm1 =	vmand vm7, vm8;
	v24 =	vand.u32 $0x1, v9;
	v6 =	vadd.f32 v6, v8  }
0x115: {  	v40 =	vld [tilespmem:$0x50F0];
	vm0 =	vmor vm6, vm1;
	vm10 =	veq.s32 v24, $0x1;
	v8 =	vadd.f32 $8.000000000e+00, v22  }
0x116: {  	v4 =	vsub.f32 v16, v21;
	v27 =	vsel vm0, $0x1, v0;
	v23 =	vtrunc.f32 v6  }
0x117: {  	v3 =	vadd.s32 v3, v27;
	v8 =	vmul.f32 $1.700000000e+01, v8;
	v10 =	vcvt.f32.s32 v23  }
0x118: {  	vm9 =	veq.f32 v4, $5.000000000e-01;
	vm11 =	vgt.f32 v4, $5.000000000e-01;
	v4 =	vsub.f32 v28, v2  }
0x119: {  	vm1 =	vmand vm9, vm10;
	v7 =	vadd.f32 v8, v7;
	v26 =	vcvt.s32.f32 v10  }
0x11a: {  	v2 =	vsub.f32 v40, v2;
	v12 =	vadd.s32 v33, v3;
	vm0 =	vmor vm11, vm1  }
0x11b: {  	v4 =	vmax.f32 v4, $-8.000000000e+00;
	v29 =	vtrunc.f32 v7;
	v6 =	vsub.f32 v6, v26  }
0x11c: {  	v2 =	vmax.f32 v2, $-8.000000000e+00;
	v30 =	vsel vm0, $0x1, v0;
	v11 =	vcvt.f32.s32 v29  }
0x11d: {  	v4 =	vmin.f32 v4, $8.000000000e+00;
	v2 =	vmin.f32 v2, $8.000000000e+00;
	vm12 =	vgt.f32 v6, $5.000000000e-01  }
0x11e: {  	vm13 =	veq.f32 v6, $5.000000000e-01;
	v35 =	vcvt.s32.f32 v11;
	v6 =	vmin.f32 v36, $8.000000000e+00  }
0x11f: {  	v45 =	vld [tilespmem:$0x51A0];
	v8 =	vadd.s32 v9, v30;
	v34 =	vand.u32 $0x1, v10;
	v6 =	vadd.f32 $8.000000000e+00, v6  }
0x120: {  	v4 =	vadd.f32 $8.000000000e+00, v4;
	v9 =	vmax.f32 v44, $-8.000000000e+00;
	v7 =	vsub.f32 v7, v35  }
0x121: {  	v2 =	vadd.f32 $8.000000000e+00, v2;
	vm14 =	veq.s32 v34, $0x1;
	v6 =	vmul.f32 $1.700000000e+01, v6  }
0x122: {  	vm4 =	veq.f32 v7, $5.000000000e-01;
	vm5 =	vgt.f32 v7, $5.000000000e-01;
	v7 =	vmax.f32 v42, $-8.000000000e+00  }
0x123: {  	v9 =	vmin.f32 v9, $8.000000000e+00;
	v4 =	vadd.f32 v6, v4;
	v7 =	vmin.f32 v7, $8.000000000e+00  }
0x124: {  	v49 =	vld [tilespmem:$0x51B0];
	v13 =	vadd.s32 v45, v8;
	v9 =	vadd.f32 $8.000000000e+00, v9;
	v7 =	vadd.f32 $8.000000000e+00, v7  }
0x125: {  	v39 =	vand.u32 $0x1, v11;
	vm1 =	vmand vm13, vm14;
	v46 =	vtrunc.f32 v4  }
0x126: {  	vm0 =	vmor vm12, vm1;
	v14 =	vcvt.f32.s32 v46;
	v7 =	vmul.f32 $1.700000000e+01, v7  }
0x127: {  	v1 =	vadd.f32 v1, v2;
	vm15 =	veq.s32 v39, $0x1;
	v48 =	vsel vm0, $0x1, v0  }
0x128: {  	v10 =	vadd.s32 v10, v48;
	v7 =	vadd.f32 v7, v9;
	v47 =	vcvt.s32.f32 v14  }
0x129: {  	v52 =	vld [tilespmem:$0x51C0];
	v53 =	vtrunc.f32 v1;
	vm1 =	vmand vm4, vm15;
	v56 =	vadd.s32 v49, v10  }
0x12a: {  	[tilespmem:$0x5280] =	vst v5;
	vm1 =	vmor vm5, vm1;
	v4 =	vsub.f32 v4, v47;
	v2 =	vtrunc.f32 v7  }
0x12b: {  	[tilespmem:$0x5380] =	vst v43;
	v50 =	vsel vm1, $0x1, v0;
	v51 =	vand.u32 $0x1, v14;
	v2 =	vcvt.f32.s32 v2  }
0x12c: {  	[tilespmem:$0x5290] =	vst v3;
	v55 =	vadd.s32 v11, v50;
	vm6 =	veq.s32 v51, $0x1;
	vm7 =	veq.f32 v4, $5.000000000e-01  }
0x12d: {  	[tilespmem:$0x5390] =	vst v12;
	vm8 =	vgt.f32 v4, $5.000000000e-01;
	v4 =	vcvt.f32.s32 v53;
	v54 =	vcvt.s32.f32 v2  }
0x12e: {  	v3 =	vld [tilespmem:$0x51D0];
	[tilespmem:$0x52A0] =	vst v8;
	v5 =	vadd.s32 v52, v55;
	vm0 =	vmand vm7, vm6;
	v58 =	vand.u32 $0x1, v2  }
0x12f: {  	[tilespmem:$0x53A0] =	vst v13;
	vm0 =	vmor vm8, vm0;
	v59 =	vcvt.s32.f32 v4;
	v6 =	vsub.f32 v7, v54  }
0x130: {  	[tilespmem:$0x52B0] =	vst v10;
	vm9 =	veq.s32 v58, $0x1;
	v62 =	vand.u32 $0x1, v4;
	v57 =	vsel vm0, $0x1, v0  }
0x131: {  	v61 =	vld [tilespmem:$0x51E0];
	[tilespmem:$0x53B0] =	vst v56;
	vm13 =	veq.s32 v62, $0x1;
	v1 =	vsub.f32 v1, v59;
	vm10 =	veq.f32 v6, $5.000000000e-01  }
0x132: {  	[tilespmem:$0x52C0] =	vst v55;
	v60 =	vadd.s32 v14, v57;
	vm11 =	vgt.f32 v6, $5.000000000e-01;
	vm0 =	vmand vm10, vm9  }
0x133: {  	v63 =	vld [tilespmem:$0x51F0];
	[tilespmem:$0x53C0] =	vst v5;
	v3 =	vadd.s32 v3, v60;
	vm12 =	veq.f32 v1, $5.000000000e-01;
	vm0 =	vmor vm11, vm0  }
0x134: {  	[tilespmem:$0x52D0] =	vst v60;
	vm14 =	vgt.f32 v1, $5.000000000e-01;
	vm1 =	vmand vm12, vm13;
	v1 =	vsel vm0, $0x1, v0  }
0x135: {  	[tilespmem:$0x53D0] =	vst v3;
	vm15 =	vmor vm14, vm1;
	v1 =	vadd.s32 v2, v1  }
0x136: {  	v2 =	vsel vm15, $0x1, v0;
	[tilespmem:$0x52E0] =	vst v1;
	v1 =	vadd.s32 v61, v1  }
0x137: {  	[tilespmem:$0x53E0] =	vst v1;
	v1 =	vadd.s32 v4, v2  }
0x138: {  	[tilespmem:$0x52F0] =	vst v1;
	v1 =	vadd.s32 v63, v1  }
0x139: {  	[tilespmem:$0x53F0] =	vst v1  }
0x13a: {  	[tilespmem:s30], [sflag:$0x2] =	stream.indirect.gather [spmem:s5], $0x80, s29, s23, $0xb8;
	[tilespmem:$0x18128] =	vst v63  }
0x13b: {  	_ = 	snop  }
0x13c: {  	[tilespmem:s6], [sflag:$0x4] =	stream.indirect.gather [spmem:s7], $0x80, s31, s23, $0xb8;
	[tilespmem:$0x18128] =	vst v63  }
0x13d: {  	_ =	swait.ge [sflag:s9], $0x4000  }
0x13e: {  	[sflag:s9] =	ssyncset.done $0x0  }
0x13f: {  	[sflag:s9] =	ssyncadd.s32 $0xFFFFC000  }
0x140: {  	_ =	swait.ge [sflag:s0], $0x4000  }
0x141: {  	s3 =	rddreg [dreg:$0xc];
	[sflag:s0] =	ssyncset.done $0x0  }
0x142: {  	s16 =	rddreg [dreg:$0xb];
	[sflag:s0] =	ssyncadd.s32 $0xFFFFC000;
	s3 =	sadd.s32 s15, s3  }
0x143: {  	[hbm4b:s3+s8] =	stream.linear.scatter [tilespmem:s25], [sflag:$0x5], $0x4000, $0x38;
	[tilespmem:$0x18128] =	vst v63  }
0x144: {  	s16 =	sadd.s32 s15, s16  }
0x145: {  	[hbm4b:s16+s8] =	stream.linear.scatter [tilespmem:s28], [sflag:$0x7], $0x4000, $0x38;
	[tilespmem:$0x18128] =	vst v63  }
0x146: {  	_ =	swait.ge [sflag:s1], $0x4000  }
0x147: {  	[sflag:s1] =	ssyncset.done $0x0  }
0x148: {  	[sflag:s1] =	ssyncadd.s32 $0xFFFFC000  }
0x149: {  	_ =	swait.ge [sflag:s2], $0x4000  }
0x14a: {  	[sflag:s2] =	ssyncset.done $0x0  }
0x14b: {  	s16 =	sadd.s32 s15, s13;
	[sflag:s2] =	ssyncadd.s32 $0xFFFFC000  }
0x14c: {  	[hbm4b:s16+s8] =	stream.linear.scatter [tilespmem:s30], [sflag:$0x6], $0x4000, $0x38;
	[tilespmem:$0x18128] =	vst v63  }
0x14d: {  	s16 =	sadd.s32 s15, s14;
	s15 =	sadd.s32 $0x1000, s15  }
0x14e: {  	p1 =	sne.s32 s15, $0x20000  }
.Ltmp0:
0x14f: {  	_ = 	snop;
	(pc) =	sbr.rel @p1 .LBB2_2-.Ltmp0, $3  }
0x150: {  	_ =	sdelay $0x1  }
0x151: {  	s12 =	sadd.s32 $0x2, s12  }
0x152: {  	[hbm4b:s16+s8] =	stream.linear.scatter [tilespmem:s6], [sflag:$0x8], $0x4000, $0x38;
	[tilespmem:$0x18128] =	vst v63  }
0x153: {  	s3 =	simm.s32 $0x5  }
0x154: {  	_ =	swait.ge [sflag:s3], $0x4000  }
0x155: {  	[sflag:s3] =	ssyncset.done $0x0  }
0x156: {  	[sflag:s3] =	ssyncadd.s32 $0xFFFFC000  }
0x157: {  	_ =	swait.ge [sflag:s4], $0x4000  }
0x158: {  	[sflag:s4] =	ssyncset.done $0x0  }
0x159: {  	[sflag:s4] =	ssyncadd.s32 $0xFFFFC000  }
0x15a: {  	_ =	swait.ge [sflag:s20], $0x4000  }
0x15b: {  	[sflag:s20] =	ssyncset.done $0x0  }
0x15c: {  	[sflag:s20] =	ssyncadd.s32 $0xFFFFC000  }
0x15d: {  	_ =	swait.ge [sflag:s10], $0x4000  }
0x15e: {  	s11 =	sadd.s32 $0x1, s11;
	s16 =	rddreg [dreg:$0xf]  }
0x15f: {  	p1 =	sne.s32 s11, s16  }
.Ltmp1:
0x160: {  	_ = 	snop;
	(pc) =	sbr.rel @p1 .LBB2_1-.Ltmp1, $3  }
0x161: {  	_ =	sdelay $0x1  }
0x162: {  	[sflag:s10] =	ssyncset.done $0x0  }
0x163: {  	[sflag:s10] =	ssyncadd.s32 $0xFFFFC000  }
0x164: {  	_ =	sfence.sel $0x180000  }
0x165: {  	[bflag:$0x0] =	sbarrier.arrive $0xFFFF  }
0x166: {  	_ =	strace $0x90000047  }
0x167: {  	[bflag:$0x2] =	sbarrier.arrive $0xFFFF  }
0x168: {  	s0 =	rddreg [dreg:$0xa]  }
0x169: {  	s0 =	sadd.s32 @!p0 $0x100000, s0  }
0x16a: {  	[sflag:s0] =	ssyncadd.tile.s32 @!p0 $0x1;
	_ =	shalt  }
.Lfunc_end2:
_tile_overlayer_lowered:
.L_overlay_start_2:
0x16b: {  	(tag) =	ssettag $0x2  }
0x16c: {  	s0 =	rddreg [dreg:$0x0];
	s2 =	stileid.u32  }
0x16d: {  	s1 =	rddreg [dreg:$0x1];
	p0 =	sne.s32 s2, $0x0  }
0x16e: {  	s3 =	rddreg [dreg:$0x2];
	[bflag:$0x3] =	sbarrier.arrive $0xFFFF;
	s2 =	simm.s32 @!p0 $0x1C09  }
0x16f: {  	[timem:s3], [sflag:s2] =	dma.local @!p0 [hbm:s0], s1  }
0x170: {  	s0 =	simm.s32 @!p0 $0x9  }
0x171: {  	_ =	swait.ge @!p0 [sflag:s0], s1  }
0x172: {  	s1 =	ssub.s32 @!p0 $0x0, s1;
	[sflag:s0] =	ssyncset.done @!p0 $0x0  }
0x173: {  	[sflag:s0] =	ssyncadd.s32 @!p0 s1  }
0x174: {  	[bflag:$0x3] =	sbarrier.arrive $0xFFFF  }
0x175: {  	_ =	shalt  }

</sc_bundles>
